<compile_context>
chip_gen: v7x
topology: tpu7x:2x2x1
jax: 0.10.2.dev20260603
libtpu: 0.0.44.dev20260713+nightly
codegen_flags: <defaults>
</compile_context>

<pallas_src>
import jax
import jax.numpy as jnp
from jax import lax
from jax.experimental import pallas as pl
from jax.experimental.pallas import tpu as pltpu
from jax.experimental.pallas import tpu_sc as plsc

N = 10000
E = 320000
D = 128

CW = 125
NCH = E // CW
NW = 32
CPW = NCH // NW
GRP = 2
CPG = CPW // GRP
NBUF = 2
RC = 128
ROW_FULL = N // RC
ROW_TAIL = N - ROW_FULL * RC


def _sc_agg_body(x_hbm, idx_hbm, zeros_hbm, out_hbm,
                 idxb, r0, r1, acc, gsem0, gsem1, ssem0, ssem1):
    c = lax.axis_index("c")
    s = lax.axis_index("s")
    wid = s * 2 + c
    rows = [r0, r1]
    gsems = [gsem0, gsem1]
    ssems = [ssem0, ssem1]
    base = wid * CPW

    def zero_body(j, carry):
        r = (s + j * 16) * RC

        @pl.when(c == 0)
        def _():
            pltpu.sync_copy(x_hbm.at[pl.ds(r, RC)], acc.at[pl.ds(r, RC)])

        @pl.when(c == 1)
        def _():
            pltpu.sync_copy(zeros_hbm, acc.at[pl.ds(r, RC)])

        return carry

    nz = jnp.where(s < ROW_FULL - (ROW_FULL // 16) * 16, ROW_FULL // 16 + 1,
                   ROW_FULL // 16)
    lax.fori_loop(0, nz, zero_body, 0)

    @pl.when(s == 15)
    def _():
        tail = pl.ds(ROW_FULL * RC, ROW_TAIL)

        @pl.when(c == 0)
        def _():
            pltpu.sync_copy(x_hbm.at[tail], acc.at[tail])

        @pl.when(c == 1)
        def _():
            pltpu.sync_copy(zeros_hbm.at[pl.ds(0, ROW_TAIL)], acc.at[tail])

    plsc.subcore_barrier()

    def group(g, carry):
        gb = base + g * CPG
        pltpu.sync_copy(idx_hbm.at[pl.ds(gb, CPG)], idxb)

        for b in range(NBUF):
            pltpu.async_copy(x_hbm.at[idxb.at[b, 0]], rows[b], gsems[b])

        def window(i, carry2):
            k0 = i * NBUF
            for b in range(NBUF):
                k = k0 + b
                pltpu.make_async_copy(x_hbm.at[idxb.at[k, 0]], rows[b],
                                      gsems[b]).wait()
                pltpu.async_copy(rows[b], acc.at[idxb.at[k, 1]], ssems[b],
                                 add=True)
            for b in range(NBUF):
                k = k0 + b

                @pl.when(k + NBUF < CPG)
                def _():
                    pltpu.make_async_copy(rows[b], acc.at[idxb.at[k, 1]],
                                          ssems[b]).wait()
                    pltpu.async_copy(x_hbm.at[idxb.at[k + NBUF, 0]], rows[b],
                                     gsems[b])
            return carry2

        lax.fori_loop(0, CPG // NBUF, window, 0)

        for b in range(NBUF):
            k = CPG - NBUF + b
            pltpu.make_async_copy(rows[b], acc.at[idxb.at[k, 1]],
                                  ssems[b]).wait()
        return carry

    lax.fori_loop(0, GRP, group, 0)

    plsc.subcore_barrier()

    def wb_body(j, carry):
        r = (s + j * 16) * RC
        pltpu.sync_copy(acc.at[pl.ds(r, RC)], out_hbm.at[c, pl.ds(r, RC)])
        return carry

    lax.fori_loop(0, nz, wb_body, 0)

    @pl.when(s == 15)
    def _():
        pltpu.sync_copy(acc.at[pl.ds(ROW_FULL * RC, ROW_TAIL)],
                        out_hbm.at[c, pl.ds(ROW_FULL * RC, ROW_TAIL)])


def _sc_agg(x, idx3, zeros):
    k = pl.kernel(
        _sc_agg_body,
        out_type=jax.ShapeDtypeStruct((2, N, D), jnp.float32),
        mesh=plsc.VectorSubcoreMesh(core_axis_name="c", subcore_axis_name="s"),
        scratch_types=(
            [pltpu.VMEM((CPG, 2, CW), jnp.int32)]
            + [pltpu.VMEM((CW, D), jnp.float32) for _ in range(NBUF)]
            + [pltpu.VMEM_SHARED((N, D), jnp.float32)]
            + [pltpu.SemaphoreType.DMA for _ in range(2 * NBUF)]
        ),
    )
    return k(x, idx3, zeros)


BN = 2000


def _mlp1_body(p_ref, w1_ref, b1_ref, w2_ref, b2_ref, o_ref):
    t = p_ref[0] + p_ref[1]
    h = jnp.dot(t, w1_ref[...], preferred_element_type=jnp.float32) + b1_ref[...]
    h = jnp.maximum(h, 0.0)
    h = jnp.dot(h, w2_ref[...], preferred_element_type=jnp.float32) + b2_ref[...]
    o_ref[...] = jnp.maximum(h, 0.0)


def _tc_mlp1(parts, w1, b1, w2, b2):
    grid = (N // BN,)
    return pl.pallas_call(
        _mlp1_body,
        grid=grid,
        in_specs=[
            pl.BlockSpec((2, BN, D), lambda i: (0, i, 0)),
            pl.BlockSpec((D, D), lambda i: (0, 0)),
            pl.BlockSpec((1, D), lambda i: (0, 0)),
            pl.BlockSpec((D, D), lambda i: (0, 0)),
            pl.BlockSpec((1, D), lambda i: (0, 0)),
        ],
        out_specs=pl.BlockSpec((BN, D), lambda i: (i, 0)),
        out_shape=jax.ShapeDtypeStruct((N, D), jnp.float32),
    )(parts, w1, b1.reshape(1, D), w2, b2.reshape(1, D))


def _mlp2_body(p_ref, w1_ref, b1_ref, w2_ref, b2_ref,
               wh1_ref, bh1_ref, wh2_ref, bh2_ref, o_ref):
    t = p_ref[0] + p_ref[1]
    z = jnp.dot(t, w1_ref[...], preferred_element_type=jnp.float32) + b1_ref[...]
    z = jnp.maximum(z, 0.0)
    z = jnp.dot(z, w2_ref[...], preferred_element_type=jnp.float32) + b2_ref[...]
    z = jnp.maximum(z, 0.0)
    z = jnp.dot(z, wh1_ref[...], preferred_element_type=jnp.float32) + bh1_ref[...]
    z = jnp.maximum(z, 0.0)
    o_ref[...] = (jnp.dot(z, wh2_ref[...], preferred_element_type=jnp.float32)
                  + bh2_ref[...])


def _tc_mlp2(parts, w1, b1, w2, b2, wh1, bh1, wh2, bh2):
    grid = (N // BN,)
    return pl.pallas_call(
        _mlp2_body,
        grid=grid,
        in_specs=[
            pl.BlockSpec((2, BN, D), lambda i: (0, i, 0)),
            pl.BlockSpec((D, D), lambda i: (0, 0)),
            pl.BlockSpec((1, D), lambda i: (0, 0)),
            pl.BlockSpec((D, D), lambda i: (0, 0)),
            pl.BlockSpec((1, D), lambda i: (0, 0)),
            pl.BlockSpec((D, D), lambda i: (0, 0)),
            pl.BlockSpec((1, D), lambda i: (0, 0)),
            pl.BlockSpec((D, D), lambda i: (0, 0)),
            pl.BlockSpec((1, D), lambda i: (0, 0)),
        ],
        out_specs=pl.BlockSpec((BN, D), lambda i: (i, 0)),
        out_shape=jax.ShapeDtypeStruct((N, D), jnp.float32),
    )(parts, w1, b1.reshape(1, D), w2, b2.reshape(1, D),
      wh1, bh1.reshape(1, D), wh2, bh2.reshape(1, D))


def kernel(x, edge_index, W1a, b1a, W2a, b2a, W1b, b1b, W2b, b2b,
           Wh1, bh1, Wh2, bh2):
    src2d = edge_index[0].astype(jnp.int32).reshape(NCH, CW)
    dst2d = edge_index[1].astype(jnp.int32).reshape(NCH, CW)
    idx3 = jnp.stack([src2d, dst2d], axis=1)
    zeros = jnp.zeros((RC, D), jnp.float32)

    parts1 = _sc_agg(x, idx3, zeros)
    h1 = _tc_mlp1(parts1, W1a, b1a, W2a, b2a)
    parts2 = _sc_agg(h1, idx3, zeros)
    out = _tc_mlp2(parts2, W1b, b1b, W2b, b2b, Wh1, bh1, Wh2, bh2)
    return out

# --- scband reference (transcript-rebuilt; emitter-appended) ---
"""Pipeline reference for scband-gin-43550968381727 (READ-ONLY COPY).

The authoritative reference and input builder live on the scoring server;
editing this copy changes nothing except your own understanding.
"""

import jax, jax.numpy as jnp
import numpy as np

N = 10000
E = 320000
D = 128
H = 128
O = 128

def _init_linear(key, fan_in, fan_out):
    k1, k2 = jax.random.split(key)
    bound = 1.0 / np.sqrt(fan_in)
    W = jax.random.uniform(k1, (fan_in, fan_out), minval=-bound, maxval=bound, dtype=jnp.float32)
    b = jax.random.uniform(k2, (fan_out,), minval=-bound, maxval=bound, dtype=jnp.float32)
    return W, b

def setup_inputs(seed: int = 0) -> dict:
    key = jax.random.key(seed)
    ks = jax.random.split(key, 8)
    x = jax.random.normal(ks[0], (N, D), dtype=jnp.float32)
    edge_index = jax.random.randint(ks[1], (2, E), 0, N, dtype=jnp.int64) if jax.config.jax_enable_x64 else jax.random.randint(ks[1], (2, E), 0, N, dtype=jnp.int32)
    W1a, b1a = _init_linear(ks[2], D, H)
    W2a, b2a = _init_linear(ks[3], H, H)
    W1b, b1b = _init_linear(ks[4], H, H)
    W2b, b2b = _init_linear(ks[5], H, H)
    Wh1, bh1 = _init_linear(ks[6], H, H)
    Wh2, bh2 = _init_linear(ks[7], H, O)
    return {"x": x, "edge_index": edge_index,
            "W1a": W1a, "b1a": b1a, "W2a": W2a, "b2a": b2a,
            "W1b": W1b, "b1b": b1b, "W2b": W2b, "b2b": b2b,
            "Wh1": Wh1, "bh1": bh1, "Wh2": Wh2, "bh2": bh2}

def _gin_conv(x, edge_index, W1, b1, W2, b2, eps=0.0):
    src = edge_index[0]
    dst = edge_index[1]
    # sum aggregation of neighbor messages (scatter-add)
    agg = jnp.zeros_like(x).at[dst].add(x[src])
    h = (1.0 + eps) * x + agg
    h = jax.nn.relu(h @ W1 + b1)
    h = h @ W2 + b2
    return h

def reference(x, edge_index, W1a, b1a, W2a, b2a, W1b, b1b, W2b, b2b, Wh1, bh1, Wh2, bh2):
    h = _gin_conv(x, edge_index, W1a, b1a, W2a, b2a)
    h = jax.nn.relu(h)
    h = _gin_conv(h, edge_index, W1b, b1b, W2b, b2b)
    h = jax.nn.relu(h)
    # output head: Linear -> ReLU -> Dropout(eval: identity) -> Linear
    h = jax.nn.relu(h @ Wh1 + bh1)
    out = h @ Wh2 + bh2
    return out

if __name__ == "__main__":
    import jax
    _d = setup_inputs()
    print(jax.jit(kernel)(*tuple(_d.values())))

</pallas_src>

<mosaic_0001>
#map = affine_map<(d0, d1) -> (0, 0)>
#map1 = affine_map<(d0, d1) -> (0, 0, 0)>
module attributes {stable_mosaic.version = 14 : i64} {
  func.func @_sc_agg_body(%arg0: i32, %arg1: i32, %arg2: memref<10000x128xf32, #tpu.memory_space<hbm>>, %arg3: memref<2560x2x125xi32, #tpu.memory_space<hbm>>, %arg4: memref<128x128xf32, #tpu.memory_space<hbm>>, %arg5: memref<2x10000x128xf32, #tpu.memory_space<hbm>>, %arg6: memref<40x2x125xi32, #tpu.memory_space<vmem>>, %arg7: memref<125x128xf32, #tpu.memory_space<vmem>>, %arg8: memref<125x128xf32, #tpu.memory_space<vmem>>, %arg9: memref<10000x128xf32, #tpu.memory_space<vmem_shared>>, %arg10: memref<!tpu.dma_semaphore, #tpu.memory_space<semaphore_mem>>, %arg11: memref<!tpu.dma_semaphore, #tpu.memory_space<semaphore_mem>>, %arg12: memref<!tpu.dma_semaphore, #tpu.memory_space<semaphore_mem>>, %arg13: memref<!tpu.dma_semaphore, #tpu.memory_space<semaphore_mem>>) attributes {dimension_semantics = [#tpu.dimension_semantics<core_parallel>, #tpu.dimension_semantics<subcore_parallel>], iteration_bounds = array<i64: 2, 16>, scalar_prefetch = 0 : i64, scratch_operands = 8 : i64, tpu.core_type = #tpu.core_type<sc_vector_subcore>, window_params = [{transform_indices = #map}, {transform_indices = #map1}, {transform_indices = #map}, {transform_indices = #map1}]} {
    %mul3A = arith.constant 2 : i32
    %mul3A_0 = arith.muli %arg1, %mul3A : i32
    %add3A = arith.addi %mul3A_0, %arg0 : i32
    %mul3A_1 = arith.constant 80 : i32
    %mul3A_2 = arith.muli %add3A, %mul3A_1 : i32
    %lt3A = arith.constant 14 : i32
    %lt3A_3 = arith.cmpi slt, %arg1, %lt3A : i32
    %jit3A = arith.constant 5 : i32
    %jit3A_4 = arith.constant 4 : i32
    %select_n3A = arith.select %lt3A_3, %jit3A, %jit3A_4 : i32
    %while3A = arith.constant 0 : i32
    %while3A_5 = arith.constant 0 : i32
    %while3A_6 = arith.subi %select_n3A, %while3A_5 : i32
    %while3A_7 = arith.addi %while3A_5, %while3A_6 : i32
    %while3A_8 = arith.constant 1 : i32
    %while3A_9 = arith.divsi %while3A_6, %while3A_8 : i32
    %while3A_10 = arith.muli %while3A_9, %while3A_8 : i32
    %while3A_11 = arith.addi %while3A_5, %while3A_10 : i32
    %while3A_12 = arith.constant 1 : i32
    scf.for %while3A_37 = %while3A_5 to %while3A_11 step %while3A_12  : i32 {
      %mul3A_38 = arith.constant 16 : i32
      %mul3A_39 = arith.muli %while3A_37, %mul3A_38 : i32
      %add3A_40 = arith.addi %arg1, %mul3A_39 : i32
      %mul3A_41 = arith.constant 128 : i32
      %mul3A_42 = arith.muli %add3A_40, %mul3A_41 : i32
      %eq3A_43 = arith.constant 0 : i32
      %eq3A_44 = arith.cmpi eq, %arg0, %eq3A_43 : i32
      %convert_element_type3A_45 = arith.extui %eq3A_44 : i1 to i32
      %cond3A_46 = arith.constant 0 : i32
      %cond3A_47 = arith.cmpi ne, %convert_element_type3A_45, %cond3A_46 : i32
      scf.if %cond3A_47 {
        "tpu.region"() ({
          %run_scoped3A = tpu.sem_alloc : memref<!tpu.dma_semaphore, #tpu.memory_space<semaphore_mem>>
          %dma_start3A = arith.constant 0 : i32
          %dma_start3A_53 = tpu.memref_slice %arg9[%mul3A_42, %dma_start3A] : memref<10000x128xf32, #tpu.memory_space<vmem_shared>> -> memref<128x128xf32, #tpu.memory_space<vmem_shared>>
          %dma_start3A_54 = arith.constant 0 : i32
          %dma_start3A_55 = tpu.memref_slice %arg2[%mul3A_42, %dma_start3A_54] : memref<10000x128xf32, #tpu.memory_space<hbm>> -> memref<128x128xf32, #tpu.memory_space<hbm>>
          tpu.enqueue_dma source(%dma_start3A_55 : memref<128x128xf32, #tpu.memory_space<hbm>>) target(%dma_start3A_53 : memref<128x128xf32, #tpu.memory_space<vmem_shared>>) target_semaphore(%run_scoped3A : memref<!tpu.dma_semaphore, #tpu.memory_space<semaphore_mem>>)
          %dma_wait3A = arith.constant 0 : i32
          %dma_wait3A_56 = tpu.memref_slice %arg9[%mul3A_42, %dma_wait3A] : memref<10000x128xf32, #tpu.memory_space<vmem_shared>> -> memref<128x128xf32, #tpu.memory_space<vmem_shared>>
          %dma_wait3A_57 = arith.constant 0 : i32
          %dma_wait3A_58 = tpu.memref_slice %arg2[%mul3A_42, %dma_wait3A_57] : memref<10000x128xf32, #tpu.memory_space<hbm>> -> memref<128x128xf32, #tpu.memory_space<hbm>>
          tpu.wait_dma2 semaphore(%run_scoped3A : memref<!tpu.dma_semaphore, #tpu.memory_space<semaphore_mem>>) src(%dma_wait3A_58 : memref<128x128xf32, #tpu.memory_space<hbm>>) dst(%dma_wait3A_56 : memref<128x128xf32, #tpu.memory_space<vmem_shared>>)
          tpu.yield
        }) : () -> ()
      } else {
      }
      %eq3A_48 = arith.constant 1 : i32
      %eq3A_49 = arith.cmpi eq, %arg0, %eq3A_48 : i32
      %convert_element_type3A_50 = arith.extui %eq3A_49 : i1 to i32
      %cond3A_51 = arith.constant 0 : i32
      %cond3A_52 = arith.cmpi ne, %convert_element_type3A_50, %cond3A_51 : i32
      scf.if %cond3A_52 {
        "tpu.region"() ({
          %run_scoped3A = tpu.sem_alloc : memref<!tpu.dma_semaphore, #tpu.memory_space<semaphore_mem>>
          %dma_start3A = arith.constant 0 : i32
          %dma_start3A_53 = tpu.memref_slice %arg9[%mul3A_42, %dma_start3A] : memref<10000x128xf32, #tpu.memory_space<vmem_shared>> -> memref<128x128xf32, #tpu.memory_space<vmem_shared>>
          tpu.enqueue_dma source(%arg4 : memref<128x128xf32, #tpu.memory_space<hbm>>) target(%dma_start3A_53 : memref<128x128xf32, #tpu.memory_space<vmem_shared>>) target_semaphore(%run_scoped3A : memref<!tpu.dma_semaphore, #tpu.memory_space<semaphore_mem>>)
          %dma_wait3A = arith.constant 0 : i32
          %dma_wait3A_54 = tpu.memref_slice %arg9[%mul3A_42, %dma_wait3A] : memref<10000x128xf32, #tpu.memory_space<vmem_shared>> -> memref<128x128xf32, #tpu.memory_space<vmem_shared>>
          tpu.wait_dma2 semaphore(%run_scoped3A : memref<!tpu.dma_semaphore, #tpu.memory_space<semaphore_mem>>) src(%arg4 : memref<128x128xf32, #tpu.memory_space<hbm>>) dst(%dma_wait3A_54 : memref<128x128xf32, #tpu.memory_space<vmem_shared>>)
          tpu.yield
        }) : () -> ()
      } else {
      }
    }
    %while3A_13 = arith.constant 1 : i32
    scf.for %while3A_37 = %while3A_11 to %while3A_7 step %while3A_13  : i32 {
      %mul3A_38 = arith.constant 16 : i32
      %mul3A_39 = arith.muli %while3A_37, %mul3A_38 : i32
      %add3A_40 = arith.addi %arg1, %mul3A_39 : i32
      %mul3A_41 = arith.constant 128 : i32
      %mul3A_42 = arith.muli %add3A_40, %mul3A_41 : i32
      %eq3A_43 = arith.constant 0 : i32
      %eq3A_44 = arith.cmpi eq, %arg0, %eq3A_43 : i32
      %convert_element_type3A_45 = arith.extui %eq3A_44 : i1 to i32
      %cond3A_46 = arith.constant 0 : i32
      %cond3A_47 = arith.cmpi ne, %convert_element_type3A_45, %cond3A_46 : i32
      scf.if %cond3A_47 {
        "tpu.region"() ({
          %run_scoped3A = tpu.sem_alloc : memref<!tpu.dma_semaphore, #tpu.memory_space<semaphore_mem>>
          %dma_start3A = arith.constant 0 : i32
          %dma_start3A_53 = tpu.memref_slice %arg9[%mul3A_42, %dma_start3A] : memref<10000x128xf32, #tpu.memory_space<vmem_shared>> -> memref<128x128xf32, #tpu.memory_space<vmem_shared>>
          %dma_start3A_54 = arith.constant 0 : i32
          %dma_start3A_55 = tpu.memref_slice %arg2[%mul3A_42, %dma_start3A_54] : memref<10000x128xf32, #tpu.memory_space<hbm>> -> memref<128x128xf32, #tpu.memory_space<hbm>>
          tpu.enqueue_dma source(%dma_start3A_55 : memref<128x128xf32, #tpu.memory_space<hbm>>) target(%dma_start3A_53 : memref<128x128xf32, #tpu.memory_space<vmem_shared>>) target_semaphore(%run_scoped3A : memref<!tpu.dma_semaphore, #tpu.memory_space<semaphore_mem>>)
          %dma_wait3A = arith.constant 0 : i32
          %dma_wait3A_56 = tpu.memref_slice %arg9[%mul3A_42, %dma_wait3A] : memref<10000x128xf32, #tpu.memory_space<vmem_shared>> -> memref<128x128xf32, #tpu.memory_space<vmem_shared>>
          %dma_wait3A_57 = arith.constant 0 : i32
          %dma_wait3A_58 = tpu.memref_slice %arg2[%mul3A_42, %dma_wait3A_57] : memref<10000x128xf32, #tpu.memory_space<hbm>> -> memref<128x128xf32, #tpu.memory_space<hbm>>
          tpu.wait_dma2 semaphore(%run_scoped3A : memref<!tpu.dma_semaphore, #tpu.memory_space<semaphore_mem>>) src(%dma_wait3A_58 : memref<128x128xf32, #tpu.memory_space<hbm>>) dst(%dma_wait3A_56 : memref<128x128xf32, #tpu.memory_space<vmem_shared>>)
          tpu.yield
        }) : () -> ()
      } else {
      }
      %eq3A_48 = arith.constant 1 : i32
      %eq3A_49 = arith.cmpi eq, %arg0, %eq3A_48 : i32
      %convert_element_type3A_50 = arith.extui %eq3A_49 : i1 to i32
      %cond3A_51 = arith.constant 0 : i32
      %cond3A_52 = arith.cmpi ne, %convert_element_type3A_50, %cond3A_51 : i32
      scf.if %cond3A_52 {
        "tpu.region"() ({
          %run_scoped3A = tpu.sem_alloc : memref<!tpu.dma_semaphore, #tpu.memory_space<semaphore_mem>>
          %dma_start3A = arith.constant 0 : i32
          %dma_start3A_53 = tpu.memref_slice %arg9[%mul3A_42, %dma_start3A] : memref<10000x128xf32, #tpu.memory_space<vmem_shared>> -> memref<128x128xf32, #tpu.memory_space<vmem_shared>>
          tpu.enqueue_dma source(%arg4 : memref<128x128xf32, #tpu.memory_space<hbm>>) target(%dma_start3A_53 : memref<128x128xf32, #tpu.memory_space<vmem_shared>>) target_semaphore(%run_scoped3A : memref<!tpu.dma_semaphore, #tpu.memory_space<semaphore_mem>>)
          %dma_wait3A = arith.constant 0 : i32
          %dma_wait3A_54 = tpu.memref_slice %arg9[%mul3A_42, %dma_wait3A] : memref<10000x128xf32, #tpu.memory_space<vmem_shared>> -> memref<128x128xf32, #tpu.memory_space<vmem_shared>>
          tpu.wait_dma2 semaphore(%run_scoped3A : memref<!tpu.dma_semaphore, #tpu.memory_space<semaphore_mem>>) src(%arg4 : memref<128x128xf32, #tpu.memory_space<hbm>>) dst(%dma_wait3A_54 : memref<128x128xf32, #tpu.memory_space<vmem_shared>>)
          tpu.yield
        }) : () -> ()
      } else {
      }
    }
    %eq3A = arith.constant 15 : i32
    %eq3A_14 = arith.cmpi eq, %arg1, %eq3A : i32
    %convert_element_type3A = arith.extui %eq3A_14 : i1 to i32
    %cond3A = arith.constant 0 : i32
    %cond3A_15 = arith.cmpi ne, %convert_element_type3A, %cond3A : i32
    scf.if %cond3A_15 {
      %eq3A_37 = arith.constant 0 : i32
      %eq3A_38 = arith.cmpi eq, %arg0, %eq3A_37 : i32
      %convert_element_type3A_39 = arith.extui %eq3A_38 : i1 to i32
      %cond3A_40 = arith.constant 0 : i32
      %cond3A_41 = arith.cmpi ne, %convert_element_type3A_39, %cond3A_40 : i32
      scf.if %cond3A_41 {
        "tpu.region"() ({
          %run_scoped3A = tpu.sem_alloc : memref<!tpu.dma_semaphore, #tpu.memory_space<semaphore_mem>>
          %dma_start3A = arith.constant 9984 : i32
          %dma_start3A_47 = arith.constant 0 : i32
          %dma_start3A_48 = tpu.memref_slice %arg9[%dma_start3A, %dma_start3A_47] : memref<10000x128xf32, #tpu.memory_space<vmem_shared>> -> memref<16x128xf32, #tpu.memory_space<vmem_shared>>
          %dma_start3A_49 = arith.constant 9984 : i32
          %dma_start3A_50 = arith.constant 0 : i32
          %dma_start3A_51 = tpu.memref_slice %arg2[%dma_start3A_49, %dma_start3A_50] : memref<10000x128xf32, #tpu.memory_space<hbm>> -> memref<16x128xf32, #tpu.memory_space<hbm>>
          tpu.enqueue_dma source(%dma_start3A_51 : memref<16x128xf32, #tpu.memory_space<hbm>>) target(%dma_start3A_48 : memref<16x128xf32, #tpu.memory_space<vmem_shared>>) target_semaphore(%run_scoped3A : memref<!tpu.dma_semaphore, #tpu.memory_space<semaphore_mem>>)
          %dma_wait3A = arith.constant 9984 : i32
          %dma_wait3A_52 = arith.constant 0 : i32
          %dma_wait3A_53 = tpu.memref_slice %arg9[%dma_wait3A, %dma_wait3A_52] : memref<10000x128xf32, #tpu.memory_space<vmem_shared>> -> memref<16x128xf32, #tpu.memory_space<vmem_shared>>
          %dma_wait3A_54 = arith.constant 9984 : i32
          %dma_wait3A_55 = arith.constant 0 : i32
          %dma_wait3A_56 = tpu.memref_slice %arg2[%dma_wait3A_54, %dma_wait3A_55] : memref<10000x128xf32, #tpu.memory_space<hbm>> -> memref<16x128xf32, #tpu.memory_space<hbm>>
          tpu.wait_dma2 semaphore(%run_scoped3A : memref<!tpu.dma_semaphore, #tpu.memory_space<semaphore_mem>>) src(%dma_wait3A_56 : memref<16x128xf32, #tpu.memory_space<hbm>>) dst(%dma_wait3A_53 : memref<16x128xf32, #tpu.memory_space<vmem_shared>>)
          tpu.yield
        }) : () -> ()
      } else {
      }
      %eq3A_42 = arith.constant 1 : i32
      %eq3A_43 = arith.cmpi eq, %arg0, %eq3A_42 : i32
      %convert_element_type3A_44 = arith.extui %eq3A_43 : i1 to i32
      %cond3A_45 = arith.constant 0 : i32
      %cond3A_46 = arith.cmpi ne, %convert_element_type3A_44, %cond3A_45 : i32
      scf.if %cond3A_46 {
        "tpu.region"() ({
          %run_scoped3A = tpu.sem_alloc : memref<!tpu.dma_semaphore, #tpu.memory_space<semaphore_mem>>
          %dma_start3A = arith.constant 9984 : i32
          %dma_start3A_47 = arith.constant 0 : i32
          %dma_start3A_48 = tpu.memref_slice %arg9[%dma_start3A, %dma_start3A_47] : memref<10000x128xf32, #tpu.memory_space<vmem_shared>> -> memref<16x128xf32, #tpu.memory_space<vmem_shared>>
          %dma_start3A_49 = arith.constant 0 : i32
          %dma_start3A_50 = arith.constant 0 : i32
          %dma_start3A_51 = tpu.memref_slice %arg4[%dma_start3A_49, %dma_start3A_50] : memref<128x128xf32, #tpu.memory_space<hbm>> -> memref<16x128xf32, #tpu.memory_space<hbm>>
          tpu.enqueue_dma source(%dma_start3A_51 : memref<16x128xf32, #tpu.memory_space<hbm>>) target(%dma_start3A_48 : memref<16x128xf32, #tpu.memory_space<vmem_shared>>) target_semaphore(%run_scoped3A : memref<!tpu.dma_semaphore, #tpu.memory_space<semaphore_mem>>)
          %dma_wait3A = arith.constant 9984 : i32
          %dma_wait3A_52 = arith.constant 0 : i32
          %dma_wait3A_53 = tpu.memref_slice %arg9[%dma_wait3A, %dma_wait3A_52] : memref<10000x128xf32, #tpu.memory_space<vmem_shared>> -> memref<16x128xf32, #tpu.memory_space<vmem_shared>>
          %dma_wait3A_54 = arith.constant 0 : i32
          %dma_wait3A_55 = arith.constant 0 : i32
          %dma_wait3A_56 = tpu.memref_slice %arg4[%dma_wait3A_54, %dma_wait3A_55] : memref<128x128xf32, #tpu.memory_space<hbm>> -> memref<16x128xf32, #tpu.memory_space<hbm>>
          tpu.wait_dma2 semaphore(%run_scoped3A : memref<!tpu.dma_semaphore, #tpu.memory_space<semaphore_mem>>) src(%dma_wait3A_56 : memref<16x128xf32, #tpu.memory_space<hbm>>) dst(%dma_wait3A_53 : memref<16x128xf32, #tpu.memory_space<vmem_shared>>)
          tpu.yield
        }) : () -> ()
      } else {
      }
    } else {
    }
    %barrier3A = arith.constant 0 : index
    tpu.barrier barrier_id(%barrier3A)
    %scan3A = arith.constant 0 : i32
    %scan3A_16 = arith.constant 0 : i32
    %scan3A_17 = arith.constant 2 : i32
    %scan3A_18 = arith.addi %scan3A_16, %scan3A_17 : i32
    %scan3A_19 = arith.constant 1 : i32
    scf.for %scan3A_37 = %scan3A_16 to %scan3A_18 step %scan3A_19  : i32 {
      %mul3A_38 = arith.constant 40 : i32
      %mul3A_39 = arith.muli %scan3A_37, %mul3A_38 : i32
      %add3A_40 = arith.addi %mul3A_2, %mul3A_39 : i32
      "tpu.region"() ({
        %run_scoped3A = tpu.sem_alloc : memref<!tpu.dma_semaphore, #tpu.memory_space<semaphore_mem>>
        %dma_start3A_77 = arith.constant 0 : i32
        %dma_start3A_78 = arith.constant 0 : i32
        %dma_start3A_79 = tpu.memref_slice %arg3[%add3A_40, %dma_start3A_77, %dma_start3A_78] : memref<2560x2x125xi32, #tpu.memory_space<hbm>> -> memref<40x2x125xi32, #tpu.memory_space<hbm>>
        %dma_start3A_80 = arith.constant 0 : i32
        %dma_start3A_81 = arith.constant 0 : i32
        %dma_start3A_82 = tpu.memref_slice %arg3[%add3A_40, %dma_start3A_80, %dma_start3A_81] : memref<2560x2x125xi32, #tpu.memory_space<hbm>> -> memref<40x2x125xi32, #tpu.memory_space<hbm>>
        tpu.enqueue_dma source(%dma_start3A_82 : memref<40x2x125xi32, #tpu.memory_space<hbm>>) target(%arg6 : memref<40x2x125xi32, #tpu.memory_space<vmem>>) target_semaphore(%run_scoped3A : memref<!tpu.dma_semaphore, #tpu.memory_space<semaphore_mem>>)
        %dma_wait3A_83 = arith.constant 0 : i32
        %dma_wait3A_84 = arith.constant 0 : i32
        %dma_wait3A_85 = tpu.memref_slice %arg3[%add3A_40, %dma_wait3A_83, %dma_wait3A_84] : memref<2560x2x125xi32, #tpu.memory_space<hbm>> -> memref<40x2x125xi32, #tpu.memory_space<hbm>>
        %dma_wait3A_86 = arith.constant 0 : i32
        %dma_wait3A_87 = arith.constant 0 : i32
        %dma_wait3A_88 = tpu.memref_slice %arg3[%add3A_40, %dma_wait3A_86, %dma_wait3A_87] : memref<2560x2x125xi32, #tpu.memory_space<hbm>> -> memref<40x2x125xi32, #tpu.memory_space<hbm>>
        tpu.wait_dma2 semaphore(%run_scoped3A : memref<!tpu.dma_semaphore, #tpu.memory_space<semaphore_mem>>) src(%dma_wait3A_88 : memref<40x2x125xi32, #tpu.memory_space<hbm>>) dst(%arg6 : memref<40x2x125xi32, #tpu.memory_space<vmem>>)
        tpu.yield
      }) : () -> ()
      %dma_start3A = arith.constant 0 : i32
      %dma_start3A_41 = arith.constant 0 : i32
      %dma_start3A_42 = arith.constant 0 : i32
      %dma_start3A_43 = tpu.memref_slice %arg6[%dma_start3A, %dma_start3A_41, %dma_start3A_42] : memref<40x2x125xi32, #tpu.memory_space<vmem>> -> memref<1x1x125xi32, #tpu.memory_space<vmem>>
      %dma_start3A_44 = tpu.memref_squeeze %dma_start3A_43 : memref<1x1x125xi32, #tpu.memory_space<vmem>> -> memref<125xi32, #tpu.memory_space<vmem>>
      %dma_start3A_45 = arith.constant 0 : i32
      %dma_start3A_46 = arith.constant 0 : i32
      %dma_start3A_47 = tpu.memref_slice %arg2[%dma_start3A_45, %dma_start3A_46] : memref<10000x128xf32, #tpu.memory_space<hbm>> -> memref<10000x128xf32, #tpu.memory_space<hbm>>
      tpu.enqueue_indirect_dma source(%dma_start3A_47 : memref<10000x128xf32, #tpu.memory_space<hbm>>) target(%arg7 : memref<125x128xf32, #tpu.memory_space<vmem>>) offsets(%dma_start3A_44 : memref<125xi32, #tpu.memory_space<vmem>>) semaphore(%arg10 : memref<!tpu.dma_semaphore, #tpu.memory_space<semaphore_mem>>)
      %dma_start3A_48 = arith.constant 1 : i32
      %dma_start3A_49 = arith.constant 0 : i32
      %dma_start3A_50 = arith.constant 0 : i32
      %dma_start3A_51 = tpu.memref_slice %arg6[%dma_start3A_48, %dma_start3A_49, %dma_start3A_50] : memref<40x2x125xi32, #tpu.memory_space<vmem>> -> memref<1x1x125xi32, #tpu.memory_space<vmem>>
      %dma_start3A_52 = tpu.memref_squeeze %dma_start3A_51 : memref<1x1x125xi32, #tpu.memory_space<vmem>> -> memref<125xi32, #tpu.memory_space<vmem>>
      %dma_start3A_53 = arith.constant 0 : i32
      %dma_start3A_54 = arith.constant 0 : i32
      %dma_start3A_55 = tpu.memref_slice %arg2[%dma_start3A_53, %dma_start3A_54] : memref<10000x128xf32, #tpu.memory_space<hbm>> -> memref<10000x128xf32, #tpu.memory_space<hbm>>
      tpu.enqueue_indirect_dma source(%dma_start3A_55 : memref<10000x128xf32, #tpu.memory_space<hbm>>) target(%arg8 : memref<125x128xf32, #tpu.memory_space<vmem>>) offsets(%dma_start3A_52 : memref<125xi32, #tpu.memory_space<vmem>>) semaphore(%arg11 : memref<!tpu.dma_semaphore, #tpu.memory_space<semaphore_mem>>)
      %scan3A_56 = arith.constant 0 : i32
      %scan3A_57 = arith.constant 0 : i32
      %scan3A_58 = arith.constant 20 : i32
      %scan3A_59 = arith.addi %scan3A_57, %scan3A_58 : i32
      %scan3A_60 = arith.constant 1 : i32
      scf.for %scan3A_77 = %scan3A_57 to %scan3A_59 step %scan3A_60  : i32 {
        %mul3A_78 = arith.constant 2 : i32
        %mul3A_79 = arith.muli %scan3A_77, %mul3A_78 : i32
        %add3A_80 = arith.constant 0 : i32
        %add3A_81 = arith.addi %mul3A_79, %add3A_80 : i32
        %dma_wait3A_82 = arith.constant 0 : i32
        %dma_wait3A_83 = arith.constant 0 : i32
        %dma_wait3A_84 = tpu.memref_slice %arg6[%add3A_81, %dma_wait3A_82, %dma_wait3A_83] : memref<40x2x125xi32, #tpu.memory_space<vmem>> -> memref<1x1x125xi32, #tpu.memory_space<vmem>>
        %dma_wait3A_85 = tpu.memref_squeeze %dma_wait3A_84 : memref<1x1x125xi32, #tpu.memory_space<vmem>> -> memref<125xi32, #tpu.memory_space<vmem>>
        %dma_wait3A_86 = arith.constant 0 : i32
        %dma_wait3A_87 = arith.constant 0 : i32
        %dma_wait3A_88 = tpu.memref_slice %arg2[%dma_wait3A_86, %dma_wait3A_87] : memref<10000x128xf32, #tpu.memory_space<hbm>> -> memref<10000x128xf32, #tpu.memory_space<hbm>>
        tpu.wait_indirect_dma semaphore(%arg10 : memref<!tpu.dma_semaphore, #tpu.memory_space<semaphore_mem>>) src(%dma_wait3A_88 : memref<10000x128xf32, #tpu.memory_space<hbm>>) dst(%arg7 : memref<125x128xf32, #tpu.memory_space<vmem>>)
        %dma_start3A_89 = arith.constant 1 : i32
        %dma_start3A_90 = arith.constant 0 : i32
        %dma_start3A_91 = tpu.memref_slice %arg6[%add3A_81, %dma_start3A_89, %dma_start3A_90] : memref<40x2x125xi32, #tpu.memory_space<vmem>> -> memref<1x1x125xi32, #tpu.memory_space<vmem>>
        %dma_start3A_92 = tpu.memref_squeeze %dma_start3A_91 : memref<1x1x125xi32, #tpu.memory_space<vmem>> -> memref<125xi32, #tpu.memory_space<vmem>>
        %dma_start3A_93 = arith.constant 0 : i32
        %dma_start3A_94 = arith.constant 0 : i32
        %dma_start3A_95 = tpu.memref_slice %arg9[%dma_start3A_93, %dma_start3A_94] : memref<10000x128xf32, #tpu.memory_space<vmem_shared>> -> memref<10000x128xf32, #tpu.memory_space<vmem_shared>>
        tpu.enqueue_indirect_dma source(%arg7 : memref<125x128xf32, #tpu.memory_space<vmem>>) target(%dma_start3A_95 : memref<10000x128xf32, #tpu.memory_space<vmem_shared>>) offsets(%dma_start3A_92 : memref<125xi32, #tpu.memory_space<vmem>>) semaphore(%arg12 : memref<!tpu.dma_semaphore, #tpu.memory_space<semaphore_mem>>) {add = true}
        %add3A_96 = arith.constant 1 : i32
        %add3A_97 = arith.addi %mul3A_79, %add3A_96 : i32
        %dma_wait3A_98 = arith.constant 0 : i32
        %dma_wait3A_99 = arith.constant 0 : i32
        %dma_wait3A_100 = tpu.memref_slice %arg6[%add3A_97, %dma_wait3A_98, %dma_wait3A_99] : memref<40x2x125xi32, #tpu.memory_space<vmem>> -> memref<1x1x125xi32, #tpu.memory_space<vmem>>
        %dma_wait3A_101 = tpu.memref_squeeze %dma_wait3A_100 : memref<1x1x125xi32, #tpu.memory_space<vmem>> -> memref<125xi32, #tpu.memory_space<vmem>>
        %dma_wait3A_102 = arith.constant 0 : i32
        %dma_wait3A_103 = arith.constant 0 : i32
        %dma_wait3A_104 = tpu.memref_slice %arg2[%dma_wait3A_102, %dma_wait3A_103] : memref<10000x128xf32, #tpu.memory_space<hbm>> -> memref<10000x128xf32, #tpu.memory_space<hbm>>
        tpu.wait_indirect_dma semaphore(%arg11 : memref<!tpu.dma_semaphore, #tpu.memory_space<semaphore_mem>>) src(%dma_wait3A_104 : memref<10000x128xf32, #tpu.memory_space<hbm>>) dst(%arg8 : memref<125x128xf32, #tpu.memory_space<vmem>>)
        %dma_start3A_105 = arith.constant 1 : i32
        %dma_start3A_106 = arith.constant 0 : i32
        %dma_start3A_107 = tpu.memref_slice %arg6[%add3A_97, %dma_start3A_105, %dma_start3A_106] : memref<40x2x125xi32, #tpu.memory_space<vmem>> -> memref<1x1x125xi32, #tpu.memory_space<vmem>>
        %dma_start3A_108 = tpu.memref_squeeze %dma_start3A_107 : memref<1x1x125xi32, #tpu.memory_space<vmem>> -> memref<125xi32, #tpu.memory_space<vmem>>
        %dma_start3A_109 = arith.constant 0 : i32
        %dma_start3A_110 = arith.constant 0 : i32
        %dma_start3A_111 = tpu.memref_slice %arg9[%dma_start3A_109, %dma_start3A_110] : memref<10000x128xf32, #tpu.memory_space<vmem_shared>> -> memref<10000x128xf32, #tpu.memory_space<vmem_shared>>
        tpu.enqueue_indirect_dma source(%arg8 : memref<125x128xf32, #tpu.memory_space<vmem>>) target(%dma_start3A_111 : memref<10000x128xf32, #tpu.memory_space<vmem_shared>>) offsets(%dma_start3A_108 : memref<125xi32, #tpu.memory_space<vmem>>) semaphore(%arg13 : memref<!tpu.dma_semaphore, #tpu.memory_space<semaphore_mem>>) {add = true}
        %add3A_112 = arith.constant 0 : i32
        %add3A_113 = arith.addi %mul3A_79, %add3A_112 : i32
        %add3A_114 = arith.constant 2 : i32
        %add3A_115 = arith.addi %add3A_113, %add3A_114 : i32
        %lt3A_116 = arith.constant 40 : i32
        %lt3A_117 = arith.cmpi slt, %add3A_115, %lt3A_116 : i32
        %convert_element_type3A_118 = arith.extui %lt3A_117 : i1 to i32
        %cond3A_119 = arith.constant 0 : i32
        %cond3A_120 = arith.cmpi ne, %convert_element_type3A_118, %cond3A_119 : i32
        scf.if %cond3A_120 {
          %dma_wait3A_130 = arith.constant 1 : i32
          %dma_wait3A_131 = arith.constant 0 : i32
          %dma_wait3A_132 = tpu.memref_slice %arg6[%add3A_113, %dma_wait3A_130, %dma_wait3A_131] : memref<40x2x125xi32, #tpu.memory_space<vmem>> -> memref<1x1x125xi32, #tpu.memory_space<vmem>>
          %dma_wait3A_133 = tpu.memref_squeeze %dma_wait3A_132 : memref<1x1x125xi32, #tpu.memory_space<vmem>> -> memref<125xi32, #tpu.memory_space<vmem>>
          %dma_wait3A_134 = arith.constant 0 : i32
          %dma_wait3A_135 = arith.constant 0 : i32
          %dma_wait3A_136 = tpu.memref_slice %arg9[%dma_wait3A_134, %dma_wait3A_135] : memref<10000x128xf32, #tpu.memory_space<vmem_shared>> -> memref<10000x128xf32, #tpu.memory_space<vmem_shared>>
          tpu.wait_indirect_dma semaphore(%arg12 : memref<!tpu.dma_semaphore, #tpu.memory_space<semaphore_mem>>) src(%arg7 : memref<125x128xf32, #tpu.memory_space<vmem>>) dst(%dma_wait3A_136 : memref<10000x128xf32, #tpu.memory_space<vmem_shared>>)
          %add3A_137 = arith.constant 2 : i32
          %add3A_138 = arith.addi %add3A_113, %add3A_137 : i32
          %dma_start3A_139 = arith.constant 0 : i32
          %dma_start3A_140 = arith.constant 0 : i32
          %dma_start3A_141 = tpu.memref_slice %arg6[%add3A_138, %dma_start3A_139, %dma_start3A_140] : memref<40x2x125xi32, #tpu.memory_space<vmem>> -> memref<1x1x125xi32, #tpu.memory_space<vmem>>
          %dma_start3A_142 = tpu.memref_squeeze %dma_start3A_141 : memref<1x1x125xi32, #tpu.memory_space<vmem>> -> memref<125xi32, #tpu.memory_space<vmem>>
          %dma_start3A_143 = arith.constant 0 : i32
          %dma_start3A_144 = arith.constant 0 : i32
          %dma_start3A_145 = tpu.memref_slice %arg2[%dma_start3A_143, %dma_start3A_144] : memref<10000x128xf32, #tpu.memory_space<hbm>> -> memref<10000x128xf32, #tpu.memory_space<hbm>>
          tpu.enqueue_indirect_dma source(%dma_start3A_145 : memref<10000x128xf32, #tpu.memory_space<hbm>>) target(%arg7 : memref<125x128xf32, #tpu.memory_space<vmem>>) offsets(%dma_start3A_142 : memref<125xi32, #tpu.memory_space<vmem>>) semaphore(%arg10 : memref<!tpu.dma_semaphore, #tpu.memory_space<semaphore_mem>>)
        } else {
        }
        %add3A_121 = arith.constant 1 : i32
        %add3A_122 = arith.addi %mul3A_79, %add3A_121 : i32
        %add3A_123 = arith.constant 2 : i32
        %add3A_124 = arith.addi %add3A_122, %add3A_123 : i32
        %lt3A_125 = arith.constant 40 : i32
        %lt3A_126 = arith.cmpi slt, %add3A_124, %lt3A_125 : i32
        %convert_element_type3A_127 = arith.extui %lt3A_126 : i1 to i32
        %cond3A_128 = arith.constant 0 : i32
        %cond3A_129 = arith.cmpi ne, %convert_element_type3A_127, %cond3A_128 : i32
        scf.if %cond3A_129 {
          %dma_wait3A_130 = arith.constant 1 : i32
          %dma_wait3A_131 = arith.constant 0 : i32
          %dma_wait3A_132 = tpu.memref_slice %arg6[%add3A_122, %dma_wait3A_130, %dma_wait3A_131] : memref<40x2x125xi32, #tpu.memory_space<vmem>> -> memref<1x1x125xi32, #tpu.memory_space<vmem>>
          %dma_wait3A_133 = tpu.memref_squeeze %dma_wait3A_132 : memref<1x1x125xi32, #tpu.memory_space<vmem>> -> memref<125xi32, #tpu.memory_space<vmem>>
          %dma_wait3A_134 = arith.constant 0 : i32
          %dma_wait3A_135 = arith.constant 0 : i32
          %dma_wait3A_136 = tpu.memref_slice %arg9[%dma_wait3A_134, %dma_wait3A_135] : memref<10000x128xf32, #tpu.memory_space<vmem_shared>> -> memref<10000x128xf32, #tpu.memory_space<vmem_shared>>
          tpu.wait_indirect_dma semaphore(%arg13 : memref<!tpu.dma_semaphore, #tpu.memory_space<semaphore_mem>>) src(%arg8 : memref<125x128xf32, #tpu.memory_space<vmem>>) dst(%dma_wait3A_136 : memref<10000x128xf32, #tpu.memory_space<vmem_shared>>)
          %add3A_137 = arith.constant 2 : i32
          %add3A_138 = arith.addi %add3A_122, %add3A_137 : i32
          %dma_start3A_139 = arith.constant 0 : i32
          %dma_start3A_140 = arith.constant 0 : i32
          %dma_start3A_141 = tpu.memref_slice %arg6[%add3A_138, %dma_start3A_139, %dma_start3A_140] : memref<40x2x125xi32, #tpu.memory_space<vmem>> -> memref<1x1x125xi32, #tpu.memory_space<vmem>>
          %dma_start3A_142 = tpu.memref_squeeze %dma_start3A_141 : memref<1x1x125xi32, #tpu.memory_space<vmem>> -> memref<125xi32, #tpu.memory_space<vmem>>
          %dma_start3A_143 = arith.constant 0 : i32
          %dma_start3A_144 = arith.constant 0 : i32
          %dma_start3A_145 = tpu.memref_slice %arg2[%dma_start3A_143, %dma_start3A_144] : memref<10000x128xf32, #tpu.memory_space<hbm>> -> memref<10000x128xf32, #tpu.memory_space<hbm>>
          tpu.enqueue_indirect_dma source(%dma_start3A_145 : memref<10000x128xf32, #tpu.memory_space<hbm>>) target(%arg8 : memref<125x128xf32, #tpu.memory_space<vmem>>) offsets(%dma_start3A_142 : memref<125xi32, #tpu.memory_space<vmem>>) semaphore(%arg11 : memref<!tpu.dma_semaphore, #tpu.memory_space<semaphore_mem>>)
        } else {
        }
      }
      %scan3A_61 = arith.constant 20 : i32
      %dma_wait3A = arith.constant 38 : i32
      %dma_wait3A_62 = arith.constant 1 : i32
      %dma_wait3A_63 = arith.constant 0 : i32
      %dma_wait3A_64 = tpu.memref_slice %arg6[%dma_wait3A, %dma_wait3A_62, %dma_wait3A_63] : memref<40x2x125xi32, #tpu.memory_space<vmem>> -> memref<1x1x125xi32, #tpu.memory_space<vmem>>
      %dma_wait3A_65 = tpu.memref_squeeze %dma_wait3A_64 : memref<1x1x125xi32, #tpu.memory_space<vmem>> -> memref<125xi32, #tpu.memory_space<vmem>>
      %dma_wait3A_66 = arith.constant 0 : i32
      %dma_wait3A_67 = arith.constant 0 : i32
      %dma_wait3A_68 = tpu.memref_slice %arg9[%dma_wait3A_66, %dma_wait3A_67] : memref<10000x128xf32, #tpu.memory_space<vmem_shared>> -> memref<10000x128xf32, #tpu.memory_space<vmem_shared>>
      tpu.wait_indirect_dma semaphore(%arg12 : memref<!tpu.dma_semaphore, #tpu.memory_space<semaphore_mem>>) src(%arg7 : memref<125x128xf32, #tpu.memory_space<vmem>>) dst(%dma_wait3A_68 : memref<10000x128xf32, #tpu.memory_space<vmem_shared>>)
      %dma_wait3A_69 = arith.constant 39 : i32
      %dma_wait3A_70 = arith.constant 1 : i32
      %dma_wait3A_71 = arith.constant 0 : i32
      %dma_wait3A_72 = tpu.memref_slice %arg6[%dma_wait3A_69, %dma_wait3A_70, %dma_wait3A_71] : memref<40x2x125xi32, #tpu.memory_space<vmem>> -> memref<1x1x125xi32, #tpu.memory_space<vmem>>
      %dma_wait3A_73 = tpu.memref_squeeze %dma_wait3A_72 : memref<1x1x125xi32, #tpu.memory_space<vmem>> -> memref<125xi32, #tpu.memory_space<vmem>>
      %dma_wait3A_74 = arith.constant 0 : i32
      %dma_wait3A_75 = arith.constant 0 : i32
      %dma_wait3A_76 = tpu.memref_slice %arg9[%dma_wait3A_74, %dma_wait3A_75] : memref<10000x128xf32, #tpu.memory_space<vmem_shared>> -> memref<10000x128xf32, #tpu.memory_space<vmem_shared>>
      tpu.wait_indirect_dma semaphore(%arg13 : memref<!tpu.dma_semaphore, #tpu.memory_space<semaphore_mem>>) src(%arg8 : memref<125x128xf32, #tpu.memory_space<vmem>>) dst(%dma_wait3A_76 : memref<10000x128xf32, #tpu.memory_space<vmem_shared>>)
    }
    %scan3A_20 = arith.constant 2 : i32
    %barrier3A_21 = arith.constant 0 : index
    tpu.barrier barrier_id(%barrier3A_21)
    %while3A_22 = arith.constant 0 : i32
    %while3A_23 = arith.constant 0 : i32
    %while3A_24 = arith.subi %select_n3A, %while3A_23 : i32
    %while3A_25 = arith.addi %while3A_23, %while3A_24 : i32
    %while3A_26 = arith.constant 1 : i32
    %while3A_27 = arith.divsi %while3A_24, %while3A_26 : i32
    %while3A_28 = arith.muli %while3A_27, %while3A_26 : i32
    %while3A_29 = arith.addi %while3A_23, %while3A_28 : i32
    %while3A_30 = arith.constant 1 : i32
    scf.for %while3A_37 = %while3A_23 to %while3A_29 step %while3A_30  : i32 {
      %mul3A_38 = arith.constant 16 : i32
      %mul3A_39 = arith.muli %while3A_37, %mul3A_38 : i32
      %add3A_40 = arith.addi %arg1, %mul3A_39 : i32
      %mul3A_41 = arith.constant 128 : i32
      %mul3A_42 = arith.muli %add3A_40, %mul3A_41 : i32
      "tpu.region"() ({
        %run_scoped3A = tpu.sem_alloc : memref<!tpu.dma_semaphore, #tpu.memory_space<semaphore_mem>>
        %dma_start3A = arith.constant 0 : i32
        %dma_start3A_43 = tpu.memref_slice %arg5[%arg0, %mul3A_42, %dma_start3A] : memref<2x10000x128xf32, #tpu.memory_space<hbm>> -> memref<1x128x128xf32, #tpu.memory_space<hbm>>
        %dma_start3A_44 = tpu.memref_squeeze %dma_start3A_43 : memref<1x128x128xf32, #tpu.memory_space<hbm>> -> memref<128x128xf32, #tpu.memory_space<hbm>>
        %dma_start3A_45 = arith.constant 0 : i32
        %dma_start3A_46 = tpu.memref_slice %arg9[%mul3A_42, %dma_start3A_45] : memref<10000x128xf32, #tpu.memory_space<vmem_shared>> -> memref<128x128xf32, #tpu.memory_space<vmem_shared>>
        tpu.enqueue_dma source(%dma_start3A_46 : memref<128x128xf32, #tpu.memory_space<vmem_shared>>) target(%dma_start3A_44 : memref<128x128xf32, #tpu.memory_space<hbm>>) target_semaphore(%run_scoped3A : memref<!tpu.dma_semaphore, #tpu.memory_space<semaphore_mem>>)
        %dma_wait3A = arith.constant 0 : i32
        %dma_wait3A_47 = tpu.memref_slice %arg5[%arg0, %mul3A_42, %dma_wait3A] : memref<2x10000x128xf32, #tpu.memory_space<hbm>> -> memref<1x128x128xf32, #tpu.memory_space<hbm>>
        %dma_wait3A_48 = tpu.memref_squeeze %dma_wait3A_47 : memref<1x128x128xf32, #tpu.memory_space<hbm>> -> memref<128x128xf32, #tpu.memory_space<hbm>>
        %dma_wait3A_49 = arith.constant 0 : i32
        %dma_wait3A_50 = tpu.memref_slice %arg9[%mul3A_42, %dma_wait3A_49] : memref<10000x128xf32, #tpu.memory_space<vmem_shared>> -> memref<128x128xf32, #tpu.memory_space<vmem_shared>>
        tpu.wait_dma2 semaphore(%run_scoped3A : memref<!tpu.dma_semaphore, #tpu.memory_space<semaphore_mem>>) src(%dma_wait3A_50 : memref<128x128xf32, #tpu.memory_space<vmem_shared>>) dst(%dma_wait3A_48 : memref<128x128xf32, #tpu.memory_space<hbm>>)
        tpu.yield
      }) : () -> ()
    }
    %while3A_31 = arith.constant 1 : i32
    scf.for %while3A_37 = %while3A_29 to %while3A_25 step %while3A_31  : i32 {
      %mul3A_38 = arith.constant 16 : i32
      %mul3A_39 = arith.muli %while3A_37, %mul3A_38 : i32
      %add3A_40 = arith.addi %arg1, %mul3A_39 : i32
      %mul3A_41 = arith.constant 128 : i32
      %mul3A_42 = arith.muli %add3A_40, %mul3A_41 : i32
      "tpu.region"() ({
        %run_scoped3A = tpu.sem_alloc : memref<!tpu.dma_semaphore, #tpu.memory_space<semaphore_mem>>
        %dma_start3A = arith.constant 0 : i32
        %dma_start3A_43 = tpu.memref_slice %arg5[%arg0, %mul3A_42, %dma_start3A] : memref<2x10000x128xf32, #tpu.memory_space<hbm>> -> memref<1x128x128xf32, #tpu.memory_space<hbm>>
        %dma_start3A_44 = tpu.memref_squeeze %dma_start3A_43 : memref<1x128x128xf32, #tpu.memory_space<hbm>> -> memref<128x128xf32, #tpu.memory_space<hbm>>
        %dma_start3A_45 = arith.constant 0 : i32
        %dma_start3A_46 = tpu.memref_slice %arg9[%mul3A_42, %dma_start3A_45] : memref<10000x128xf32, #tpu.memory_space<vmem_shared>> -> memref<128x128xf32, #tpu.memory_space<vmem_shared>>
        tpu.enqueue_dma source(%dma_start3A_46 : memref<128x128xf32, #tpu.memory_space<vmem_shared>>) target(%dma_start3A_44 : memref<128x128xf32, #tpu.memory_space<hbm>>) target_semaphore(%run_scoped3A : memref<!tpu.dma_semaphore, #tpu.memory_space<semaphore_mem>>)
        %dma_wait3A = arith.constant 0 : i32
        %dma_wait3A_47 = tpu.memref_slice %arg5[%arg0, %mul3A_42, %dma_wait3A] : memref<2x10000x128xf32, #tpu.memory_space<hbm>> -> memref<1x128x128xf32, #tpu.memory_space<hbm>>
        %dma_wait3A_48 = tpu.memref_squeeze %dma_wait3A_47 : memref<1x128x128xf32, #tpu.memory_space<hbm>> -> memref<128x128xf32, #tpu.memory_space<hbm>>
        %dma_wait3A_49 = arith.constant 0 : i32
        %dma_wait3A_50 = tpu.memref_slice %arg9[%mul3A_42, %dma_wait3A_49] : memref<10000x128xf32, #tpu.memory_space<vmem_shared>> -> memref<128x128xf32, #tpu.memory_space<vmem_shared>>
        tpu.wait_dma2 semaphore(%run_scoped3A : memref<!tpu.dma_semaphore, #tpu.memory_space<semaphore_mem>>) src(%dma_wait3A_50 : memref<128x128xf32, #tpu.memory_space<vmem_shared>>) dst(%dma_wait3A_48 : memref<128x128xf32, #tpu.memory_space<hbm>>)
        tpu.yield
      }) : () -> ()
    }
    %eq3A_32 = arith.constant 15 : i32
    %eq3A_33 = arith.cmpi eq, %arg1, %eq3A_32 : i32
    %convert_element_type3A_34 = arith.extui %eq3A_33 : i1 to i32
    %cond3A_35 = arith.constant 0 : i32
    %cond3A_36 = arith.cmpi ne, %convert_element_type3A_34, %cond3A_35 : i32
    scf.if %cond3A_36 {
      "tpu.region"() ({
        %run_scoped3A = tpu.sem_alloc : memref<!tpu.dma_semaphore, #tpu.memory_space<semaphore_mem>>
        %dma_start3A = arith.constant 9984 : i32
        %dma_start3A_37 = arith.constant 0 : i32
        %dma_start3A_38 = tpu.memref_slice %arg5[%arg0, %dma_start3A, %dma_start3A_37] : memref<2x10000x128xf32, #tpu.memory_space<hbm>> -> memref<1x16x128xf32, #tpu.memory_space<hbm>>
        %dma_start3A_39 = tpu.memref_squeeze %dma_start3A_38 : memref<1x16x128xf32, #tpu.memory_space<hbm>> -> memref<16x128xf32, #tpu.memory_space<hbm>>
        %dma_start3A_40 = arith.constant 9984 : i32
        %dma_start3A_41 = arith.constant 0 : i32
        %dma_start3A_42 = tpu.memref_slice %arg9[%dma_start3A_40, %dma_start3A_41] : memref<10000x128xf32, #tpu.memory_space<vmem_shared>> -> memref<16x128xf32, #tpu.memory_space<vmem_shared>>
        tpu.enqueue_dma source(%dma_start3A_42 : memref<16x128xf32, #tpu.memory_space<vmem_shared>>) target(%dma_start3A_39 : memref<16x128xf32, #tpu.memory_space<hbm>>) target_semaphore(%run_scoped3A : memref<!tpu.dma_semaphore, #tpu.memory_space<semaphore_mem>>)
        %dma_wait3A = arith.constant 9984 : i32
        %dma_wait3A_43 = arith.constant 0 : i32
        %dma_wait3A_44 = tpu.memref_slice %arg5[%arg0, %dma_wait3A, %dma_wait3A_43] : memref<2x10000x128xf32, #tpu.memory_space<hbm>> -> memref<1x16x128xf32, #tpu.memory_space<hbm>>
        %dma_wait3A_45 = tpu.memref_squeeze %dma_wait3A_44 : memref<1x16x128xf32, #tpu.memory_space<hbm>> -> memref<16x128xf32, #tpu.memory_space<hbm>>
        %dma_wait3A_46 = arith.constant 9984 : i32
        %dma_wait3A_47 = arith.constant 0 : i32
        %dma_wait3A_48 = tpu.memref_slice %arg9[%dma_wait3A_46, %dma_wait3A_47] : memref<10000x128xf32, #tpu.memory_space<vmem_shared>> -> memref<16x128xf32, #tpu.memory_space<vmem_shared>>
        tpu.wait_dma2 semaphore(%run_scoped3A : memref<!tpu.dma_semaphore, #tpu.memory_space<semaphore_mem>>) src(%dma_wait3A_48 : memref<16x128xf32, #tpu.memory_space<vmem_shared>>) dst(%dma_wait3A_45 : memref<16x128xf32, #tpu.memory_space<hbm>>)
        tpu.yield
      }) : () -> ()
    } else {
    }
    return
  }
}

#map = affine_map<(d0, d1) -> (0, 0)>
#map1 = affine_map<(d0, d1) -> (0, 0, 0)>
module attributes {stable_mosaic.version = 14 : i64} {
  func.func @_sc_agg_body(%arg0: i32, %arg1: i32, %arg2: memref<10000x128xf32, #tpu.memory_space<hbm>>, %arg3: memref<2560x2x125xi32, #tpu.memory_space<hbm>>, %arg4: memref<128x128xf32, #tpu.memory_space<hbm>>, %arg5: memref<2x10000x128xf32, #tpu.memory_space<hbm>>, %arg6: memref<40x2x125xi32, #tpu.memory_space<vmem>>, %arg7: memref<125x128xf32, #tpu.memory_space<vmem>>, %arg8: memref<125x128xf32, #tpu.memory_space<vmem>>, %arg9: memref<10000x128xf32, #tpu.memory_space<vmem_shared>>, %arg10: memref<!tpu.dma_semaphore, #tpu.memory_space<semaphore_mem>>, %arg11: memref<!tpu.dma_semaphore, #tpu.memory_space<semaphore_mem>>, %arg12: memref<!tpu.dma_semaphore, #tpu.memory_space<semaphore_mem>>, %arg13: memref<!tpu.dma_semaphore, #tpu.memory_space<semaphore_mem>>) attributes {dimension_semantics = [#tpu.dimension_semantics<core_parallel>, #tpu.dimension_semantics<subcore_parallel>], iteration_bounds = array<i64: 2, 16>, scalar_prefetch = 0 : i64, scratch_operands = 8 : i64, tpu.core_type = #tpu.core_type<sc_vector_subcore>, window_params = [{transform_indices = #map}, {transform_indices = #map1}, {transform_indices = #map}, {transform_indices = #map1}]} {
    %mul3A = arith.constant 2 : i32
    %mul3A_0 = arith.muli %arg1, %mul3A : i32
    %add3A = arith.addi %mul3A_0, %arg0 : i32
    %mul3A_1 = arith.constant 80 : i32
    %mul3A_2 = arith.muli %add3A, %mul3A_1 : i32
    %lt3A = arith.constant 14 : i32
    %lt3A_3 = arith.cmpi slt, %arg1, %lt3A : i32
    %jit3A = arith.constant 5 : i32
    %jit3A_4 = arith.constant 4 : i32
    %select_n3A = arith.select %lt3A_3, %jit3A, %jit3A_4 : i32
    %while3A = arith.constant 0 : i32
    %while3A_5 = arith.constant 0 : i32
    %while3A_6 = arith.subi %select_n3A, %while3A_5 : i32
    %while3A_7 = arith.addi %while3A_5, %while3A_6 : i32
    %while3A_8 = arith.constant 1 : i32
    %while3A_9 = arith.divsi %while3A_6, %while3A_8 : i32
    %while3A_10 = arith.muli %while3A_9, %while3A_8 : i32
    %while3A_11 = arith.addi %while3A_5, %while3A_10 : i32
    %while3A_12 = arith.constant 1 : i32
    scf.for %while3A_37 = %while3A_5 to %while3A_11 step %while3A_12  : i32 {
      %mul3A_38 = arith.constant 16 : i32
      %mul3A_39 = arith.muli %while3A_37, %mul3A_38 : i32
      %add3A_40 = arith.addi %arg1, %mul3A_39 : i32
      %mul3A_41 = arith.constant 128 : i32
      %mul3A_42 = arith.muli %add3A_40, %mul3A_41 : i32
      %eq3A_43 = arith.constant 0 : i32
      %eq3A_44 = arith.cmpi eq, %arg0, %eq3A_43 : i32
      %convert_element_type3A_45 = arith.extui %eq3A_44 : i1 to i32
      %cond3A_46 = arith.constant 0 : i32
      %cond3A_47 = arith.cmpi ne, %convert_element_type3A_45, %cond3A_46 : i32
      scf.if %cond3A_47 {
        "tpu.region"() ({
          %run_scoped3A = tpu.sem_alloc : memref<!tpu.dma_semaphore, #tpu.memory_space<semaphore_mem>>
          %dma_start3A = arith.constant 0 : i32
          %dma_start3A_53 = tpu.memref_slice %arg9[%mul3A_42, %dma_start3A] : memref<10000x128xf32, #tpu.memory_space<vmem_shared>> -> memref<128x128xf32, #tpu.memory_space<vmem_shared>>
          %dma_start3A_54 = arith.constant 0 : i32
          %dma_start3A_55 = tpu.memref_slice %arg2[%mul3A_42, %dma_start3A_54] : memref<10000x128xf32, #tpu.memory_space<hbm>> -> memref<128x128xf32, #tpu.memory_space<hbm>>
          tpu.enqueue_dma source(%dma_start3A_55 : memref<128x128xf32, #tpu.memory_space<hbm>>) target(%dma_start3A_53 : memref<128x128xf32, #tpu.memory_space<vmem_shared>>) target_semaphore(%run_scoped3A : memref<!tpu.dma_semaphore, #tpu.memory_space<semaphore_mem>>)
          %dma_wait3A = arith.constant 0 : i32
          %dma_wait3A_56 = tpu.memref_slice %arg9[%mul3A_42, %dma_wait3A] : memref<10000x128xf32, #tpu.memory_space<vmem_shared>> -> memref<128x128xf32, #tpu.memory_space<vmem_shared>>
          %dma_wait3A_57 = arith.constant 0 : i32
          %dma_wait3A_58 = tpu.memref_slice %arg2[%mul3A_42, %dma_wait3A_57] : memref<10000x128xf32, #tpu.memory_space<hbm>> -> memref<128x128xf32, #tpu.memory_space<hbm>>
          tpu.wait_dma2 semaphore(%run_scoped3A : memref<!tpu.dma_semaphore, #tpu.memory_space<semaphore_mem>>) src(%dma_wait3A_58 : memref<128x128xf32, #tpu.memory_space<hbm>>) dst(%dma_wait3A_56 : memref<128x128xf32, #tpu.memory_space<vmem_shared>>)
          tpu.yield
        }) : () -> ()
      } else {
      }
      %eq3A_48 = arith.constant 1 : i32
      %eq3A_49 = arith.cmpi eq, %arg0, %eq3A_48 : i32
      %convert_element_type3A_50 = arith.extui %eq3A_49 : i1 to i32
      %cond3A_51 = arith.constant 0 : i32
      %cond3A_52 = arith.cmpi ne, %convert_element_type3A_50, %cond3A_51 : i32
      scf.if %cond3A_52 {
        "tpu.region"() ({
          %run_scoped3A = tpu.sem_alloc : memref<!tpu.dma_semaphore, #tpu.memory_space<semaphore_mem>>
          %dma_start3A = arith.constant 0 : i32
          %dma_start3A_53 = tpu.memref_slice %arg9[%mul3A_42, %dma_start3A] : memref<10000x128xf32, #tpu.memory_space<vmem_shared>> -> memref<128x128xf32, #tpu.memory_space<vmem_shared>>
          tpu.enqueue_dma source(%arg4 : memref<128x128xf32, #tpu.memory_space<hbm>>) target(%dma_start3A_53 : memref<128x128xf32, #tpu.memory_space<vmem_shared>>) target_semaphore(%run_scoped3A : memref<!tpu.dma_semaphore, #tpu.memory_space<semaphore_mem>>)
          %dma_wait3A = arith.constant 0 : i32
          %dma_wait3A_54 = tpu.memref_slice %arg9[%mul3A_42, %dma_wait3A] : memref<10000x128xf32, #tpu.memory_space<vmem_shared>> -> memref<128x128xf32, #tpu.memory_space<vmem_shared>>
          tpu.wait_dma2 semaphore(%run_scoped3A : memref<!tpu.dma_semaphore, #tpu.memory_space<semaphore_mem>>) src(%arg4 : memref<128x128xf32, #tpu.memory_space<hbm>>) dst(%dma_wait3A_54 : memref<128x128xf32, #tpu.memory_space<vmem_shared>>)
          tpu.yield
        }) : () -> ()
      } else {
      }
    }
    %while3A_13 = arith.constant 1 : i32
    scf.for %while3A_37 = %while3A_11 to %while3A_7 step %while3A_13  : i32 {
      %mul3A_38 = arith.constant 16 : i32
      %mul3A_39 = arith.muli %while3A_37, %mul3A_38 : i32
      %add3A_40 = arith.addi %arg1, %mul3A_39 : i32
      %mul3A_41 = arith.constant 128 : i32
      %mul3A_42 = arith.muli %add3A_40, %mul3A_41 : i32
      %eq3A_43 = arith.constant 0 : i32
      %eq3A_44 = arith.cmpi eq, %arg0, %eq3A_43 : i32
      %convert_element_type3A_45 = arith.extui %eq3A_44 : i1 to i32
      %cond3A_46 = arith.constant 0 : i32
      %cond3A_47 = arith.cmpi ne, %convert_element_type3A_45, %cond3A_46 : i32
      scf.if %cond3A_47 {
        "tpu.region"() ({
          %run_scoped3A = tpu.sem_alloc : memref<!tpu.dma_semaphore, #tpu.memory_space<semaphore_mem>>
          %dma_start3A = arith.constant 0 : i32
          %dma_start3A_53 = tpu.memref_slice %arg9[%mul3A_42, %dma_start3A] : memref<10000x128xf32, #tpu.memory_space<vmem_shared>> -> memref<128x128xf32, #tpu.memory_space<vmem_shared>>
          %dma_start3A_54 = arith.constant 0 : i32
          %dma_start3A_55 = tpu.memref_slice %arg2[%mul3A_42, %dma_start3A_54] : memref<10000x128xf32, #tpu.memory_space<hbm>> -> memref<128x128xf32, #tpu.memory_space<hbm>>
          tpu.enqueue_dma source(%dma_start3A_55 : memref<128x128xf32, #tpu.memory_space<hbm>>) target(%dma_start3A_53 : memref<128x128xf32, #tpu.memory_space<vmem_shared>>) target_semaphore(%run_scoped3A : memref<!tpu.dma_semaphore, #tpu.memory_space<semaphore_mem>>)
          %dma_wait3A = arith.constant 0 : i32
          %dma_wait3A_56 = tpu.memref_slice %arg9[%mul3A_42, %dma_wait3A] : memref<10000x128xf32, #tpu.memory_space<vmem_shared>> -> memref<128x128xf32, #tpu.memory_space<vmem_shared>>
          %dma_wait3A_57 = arith.constant 0 : i32
          %dma_wait3A_58 = tpu.memref_slice %arg2[%mul3A_42, %dma_wait3A_57] : memref<10000x128xf32, #tpu.memory_space<hbm>> -> memref<128x128xf32, #tpu.memory_space<hbm>>
          tpu.wait_dma2 semaphore(%run_scoped3A : memref<!tpu.dma_semaphore, #tpu.memory_space<semaphore_mem>>) src(%dma_wait3A_58 : memref<128x128xf32, #tpu.memory_space<hbm>>) dst(%dma_wait3A_56 : memref<128x128xf32, #tpu.memory_space<vmem_shared>>)
          tpu.yield
        }) : () -> ()
      } else {
      }
      %eq3A_48 = arith.constant 1 : i32
      %eq3A_49 = arith.cmpi eq, %arg0, %eq3A_48 : i32
      %convert_element_type3A_50 = arith.extui %eq3A_49 : i1 to i32
      %cond3A_51 = arith.constant 0 : i32
      %cond3A_52 = arith.cmpi ne, %convert_element_type3A_50, %cond3A_51 : i32
      scf.if %cond3A_52 {
        "tpu.region"() ({
          %run_scoped3A = tpu.sem_alloc : memref<!tpu.dma_semaphore, #tpu.memory_space<semaphore_mem>>
          %dma_start3A = arith.constant 0 : i32
          %dma_start3A_53 = tpu.memref_slice %arg9[%mul3A_42, %dma_start3A] : memref<10000x128xf32, #tpu.memory_space<vmem_shared>> -> memref<128x128xf32, #tpu.memory_space<vmem_shared>>
          tpu.enqueue_dma source(%arg4 : memref<128x128xf32, #tpu.memory_space<hbm>>) target(%dma_start3A_53 : memref<128x128xf32, #tpu.memory_space<vmem_shared>>) target_semaphore(%run_scoped3A : memref<!tpu.dma_semaphore, #tpu.memory_space<semaphore_mem>>)
          %dma_wait3A = arith.constant 0 : i32
          %dma_wait3A_54 = tpu.memref_slice %arg9[%mul3A_42, %dma_wait3A] : memref<10000x128xf32, #tpu.memory_space<vmem_shared>> -> memref<128x128xf32, #tpu.memory_space<vmem_shared>>
          tpu.wait_dma2 semaphore(%run_scoped3A : memref<!tpu.dma_semaphore, #tpu.memory_space<semaphore_mem>>) src(%arg4 : memref<128x128xf32, #tpu.memory_space<hbm>>) dst(%dma_wait3A_54 : memref<128x128xf32, #tpu.memory_space<vmem_shared>>)
          tpu.yield
        }) : () -> ()
      } else {
      }
    }
    %eq3A = arith.constant 15 : i32
    %eq3A_14 = arith.cmpi eq, %arg1, %eq3A : i32
    %convert_element_type3A = arith.extui %eq3A_14 : i1 to i32
    %cond3A = arith.constant 0 : i32
    %cond3A_15 = arith.cmpi ne, %convert_element_type3A, %cond3A : i32
    scf.if %cond3A_15 {
      %eq3A_37 = arith.constant 0 : i32
      %eq3A_38 = arith.cmpi eq, %arg0, %eq3A_37 : i32
      %convert_element_type3A_39 = arith.extui %eq3A_38 : i1 to i32
      %cond3A_40 = arith.constant 0 : i32
      %cond3A_41 = arith.cmpi ne, %convert_element_type3A_39, %cond3A_40 : i32
      scf.if %cond3A_41 {
        "tpu.region"() ({
          %run_scoped3A = tpu.sem_alloc : memref<!tpu.dma_semaphore, #tpu.memory_space<semaphore_mem>>
          %dma_start3A = arith.constant 9984 : i32
          %dma_start3A_47 = arith.constant 0 : i32
          %dma_start3A_48 = tpu.memref_slice %arg9[%dma_start3A, %dma_start3A_47] : memref<10000x128xf32, #tpu.memory_space<vmem_shared>> -> memref<16x128xf32, #tpu.memory_space<vmem_shared>>
          %dma_start3A_49 = arith.constant 9984 : i32
          %dma_start3A_50 = arith.constant 0 : i32
          %dma_start3A_51 = tpu.memref_slice %arg2[%dma_start3A_49, %dma_start3A_50] : memref<10000x128xf32, #tpu.memory_space<hbm>> -> memref<16x128xf32, #tpu.memory_space<hbm>>
          tpu.enqueue_dma source(%dma_start3A_51 : memref<16x128xf32, #tpu.memory_space<hbm>>) target(%dma_start3A_48 : memref<16x128xf32, #tpu.memory_space<vmem_shared>>) target_semaphore(%run_scoped3A : memref<!tpu.dma_semaphore, #tpu.memory_space<semaphore_mem>>)
          %dma_wait3A = arith.constant 9984 : i32
          %dma_wait3A_52 = arith.constant 0 : i32
          %dma_wait3A_53 = tpu.memref_slice %arg9[%dma_wait3A, %dma_wait3A_52] : memref<10000x128xf32, #tpu.memory_space<vmem_shared>> -> memref<16x128xf32, #tpu.memory_space<vmem_shared>>
          %dma_wait3A_54 = arith.constant 9984 : i32
          %dma_wait3A_55 = arith.constant 0 : i32
          %dma_wait3A_56 = tpu.memref_slice %arg2[%dma_wait3A_54, %dma_wait3A_55] : memref<10000x128xf32, #tpu.memory_space<hbm>> -> memref<16x128xf32, #tpu.memory_space<hbm>>
          tpu.wait_dma2 semaphore(%run_scoped3A : memref<!tpu.dma_semaphore, #tpu.memory_space<semaphore_mem>>) src(%dma_wait3A_56 : memref<16x128xf32, #tpu.memory_space<hbm>>) dst(%dma_wait3A_53 : memref<16x128xf32, #tpu.memory_space<vmem_shared>>)
          tpu.yield
        }) : () -> ()
      } else {
      }
      %eq3A_42 = arith.constant 1 : i32
      %eq3A_43 = arith.cmpi eq, %arg0, %eq3A_42 : i32
      %convert_element_type3A_44 = arith.extui %eq3A_43 : i1 to i32
      %cond3A_45 = arith.constant 0 : i32
      %cond3A_46 = arith.cmpi ne, %convert_element_type3A_44, %cond3A_45 : i32
      scf.if %cond3A_46 {
        "tpu.region"() ({
          %run_scoped3A = tpu.sem_alloc : memref<!tpu.dma_semaphore, #tpu.memory_space<semaphore_mem>>
          %dma_start3A = arith.constant 9984 : i32
          %dma_start3A_47 = arith.constant 0 : i32
          %dma_start3A_48 = tpu.memref_slice %arg9[%dma_start3A, %dma_start3A_47] : memref<10000x128xf32, #tpu.memory_space<vmem_shared>> -> memref<16x128xf32, #tpu.memory_space<vmem_shared>>
          %dma_start3A_49 = arith.constant 0 : i32
          %dma_start3A_50 = arith.constant 0 : i32
          %dma_start3A_51 = tpu.memref_slice %arg4[%dma_start3A_49, %dma_start3A_50] : memref<128x128xf32, #tpu.memory_space<hbm>> -> memref<16x128xf32, #tpu.memory_space<hbm>>
          tpu.enqueue_dma source(%dma_start3A_51 : memref<16x128xf32, #tpu.memory_space<hbm>>) target(%dma_start3A_48 : memref<16x128xf32, #tpu.memory_space<vmem_shared>>) target_semaphore(%run_scoped3A : memref<!tpu.dma_semaphore, #tpu.memory_space<semaphore_mem>>)
          %dma_wait3A = arith.constant 9984 : i32
          %dma_wait3A_52 = arith.constant 0 : i32
          %dma_wait3A_53 = tpu.memref_slice %arg9[%dma_wait3A, %dma_wait3A_52] : memref<10000x128xf32, #tpu.memory_space<vmem_shared>> -> memref<16x128xf32, #tpu.memory_space<vmem_shared>>
          %dma_wait3A_54 = arith.constant 0 : i32
          %dma_wait3A_55 = arith.constant 0 : i32
          %dma_wait3A_56 = tpu.memref_slice %arg4[%dma_wait3A_54, %dma_wait3A_55] : memref<128x128xf32, #tpu.memory_space<hbm>> -> memref<16x128xf32, #tpu.memory_space<hbm>>
          tpu.wait_dma2 semaphore(%run_scoped3A : memref<!tpu.dma_semaphore, #tpu.memory_space<semaphore_mem>>) src(%dma_wait3A_56 : memref<16x128xf32, #tpu.memory_space<hbm>>) dst(%dma_wait3A_53 : memref<16x128xf32, #tpu.memory_space<vmem_shared>>)
          tpu.yield
        }) : () -> ()
      } else {
      }
    } else {
    }
    %barrier3A = arith.constant 0 : index
    tpu.barrier barrier_id(%barrier3A)
    %scan3A = arith.constant 0 : i32
    %scan3A_16 = arith.constant 0 : i32
    %scan3A_17 = arith.constant 2 : i32
    %scan3A_18 = arith.addi %scan3A_16, %scan3A_17 : i32
    %scan3A_19 = arith.constant 1 : i32
    scf.for %scan3A_37 = %scan3A_16 to %scan3A_18 step %scan3A_19  : i32 {
      %mul3A_38 = arith.constant 40 : i32
      %mul3A_39 = arith.muli %scan3A_37, %mul3A_38 : i32
      %add3A_40 = arith.addi %mul3A_2, %mul3A_39 : i32
      "tpu.region"() ({
        %run_scoped3A = tpu.sem_alloc : memref<!tpu.dma_semaphore, #tpu.memory_space<semaphore_mem>>
        %dma_start3A_77 = arith.constant 0 : i32
        %dma_start3A_78 = arith.constant 0 : i32
        %dma_start3A_79 = tpu.memref_slice %arg3[%add3A_40, %dma_start3A_77, %dma_start3A_78] : memref<2560x2x125xi32, #tpu.memory_space<hbm>> -> memref<40x2x125xi32, #tpu.memory_space<hbm>>
        %dma_start3A_80 = arith.constant 0 : i32
        %dma_start3A_81 = arith.constant 0 : i32
        %dma_start3A_82 = tpu.memref_slice %arg3[%add3A_40, %dma_start3A_80, %dma_start3A_81] : memref<2560x2x125xi32, #tpu.memory_space<hbm>> -> memref<40x2x125xi32, #tpu.memory_space<hbm>>
        tpu.enqueue_dma source(%dma_start3A_82 : memref<40x2x125xi32, #tpu.memory_space<hbm>>) target(%arg6 : memref<40x2x125xi32, #tpu.memory_space<vmem>>) target_semaphore(%run_scoped3A : memref<!tpu.dma_semaphore, #tpu.memory_space<semaphore_mem>>)
        %dma_wait3A_83 = arith.constant 0 : i32
        %dma_wait3A_84 = arith.constant 0 : i32
        %dma_wait3A_85 = tpu.memref_slice %arg3[%add3A_40, %dma_wait3A_83, %dma_wait3A_84] : memref<2560x2x125xi32, #tpu.memory_space<hbm>> -> memref<40x2x125xi32, #tpu.memory_space<hbm>>
        %dma_wait3A_86 = arith.constant 0 : i32
        %dma_wait3A_87 = arith.constant 0 : i32
        %dma_wait3A_88 = tpu.memref_slice %arg3[%add3A_40, %dma_wait3A_86, %dma_wait3A_87] : memref<2560x2x125xi32, #tpu.memory_space<hbm>> -> memref<40x2x125xi32, #tpu.memory_space<hbm>>
        tpu.wait_dma2 semaphore(%run_scoped3A : memref<!tpu.dma_semaphore, #tpu.memory_space<semaphore_mem>>) src(%dma_wait3A_88 : memref<40x2x125xi32, #tpu.memory_space<hbm>>) dst(%arg6 : memref<40x2x125xi32, #tpu.memory_space<vmem>>)
        tpu.yield
      }) : () -> ()
      %dma_start3A = arith.constant 0 : i32
      %dma_start3A_41 = arith.constant 0 : i32
      %dma_start3A_42 = arith.constant 0 : i32
      %dma_start3A_43 = tpu.memref_slice %arg6[%dma_start3A, %dma_start3A_41, %dma_start3A_42] : memref<40x2x125xi32, #tpu.memory_space<vmem>> -> memref<1x1x125xi32, #tpu.memory_space<vmem>>
      %dma_start3A_44 = tpu.memref_squeeze %dma_start3A_43 : memref<1x1x125xi32, #tpu.memory_space<vmem>> -> memref<125xi32, #tpu.memory_space<vmem>>
      %dma_start3A_45 = arith.constant 0 : i32
      %dma_start3A_46 = arith.constant 0 : i32
      %dma_start3A_47 = tpu.memref_slice %arg2[%dma_start3A_45, %dma_start3A_46] : memref<10000x128xf32, #tpu.memory_space<hbm>> -> memref<10000x128xf32, #tpu.memory_space<hbm>>
      tpu.enqueue_indirect_dma source(%dma_start3A_47 : memref<10000x128xf32, #tpu.memory_space<hbm>>) target(%arg7 : memref<125x128xf32, #tpu.memory_space<vmem>>) offsets(%dma_start3A_44 : memref<125xi32, #tpu.memory_space<vmem>>) semaphore(%arg10 : memref<!tpu.dma_semaphore, #tpu.memory_space<semaphore_mem>>)
      %dma_start3A_48 = arith.constant 1 : i32
      %dma_start3A_49 = arith.constant 0 : i32
      %dma_start3A_50 = arith.constant 0 : i32
      %dma_start3A_51 = tpu.memref_slice %arg6[%dma_start3A_48, %dma_start3A_49, %dma_start3A_50] : memref<40x2x125xi32, #tpu.memory_space<vmem>> -> memref<1x1x125xi32, #tpu.memory_space<vmem>>
      %dma_start3A_52 = tpu.memref_squeeze %dma_start3A_51 : memref<1x1x125xi32, #tpu.memory_space<vmem>> -> memref<125xi32, #tpu.memory_space<vmem>>
      %dma_start3A_53 = arith.constant 0 : i32
      %dma_start3A_54 = arith.constant 0 : i32
      %dma_start3A_55 = tpu.memref_slice %arg2[%dma_start3A_53, %dma_start3A_54] : memref<10000x128xf32, #tpu.memory_space<hbm>> -> memref<10000x128xf32, #tpu.memory_space<hbm>>
      tpu.enqueue_indirect_dma source(%dma_start3A_55 : memref<10000x128xf32, #tpu.memory_space<hbm>>) target(%arg8 : memref<125x128xf32, #tpu.memory_space<vmem>>) offsets(%dma_start3A_52 : memref<125xi32, #tpu.memory_space<vmem>>) semaphore(%arg11 : memref<!tpu.dma_semaphore, #tpu.memory_space<semaphore_mem>>)
      %scan3A_56 = arith.constant 0 : i32
      %scan3A_57 = arith.constant 0 : i32
      %scan3A_58 = arith.constant 20 : i32
      %scan3A_59 = arith.addi %scan3A_57, %scan3A_58 : i32
      %scan3A_60 = arith.constant 1 : i32
      scf.for %scan3A_77 = %scan3A_57 to %scan3A_59 step %scan3A_60  : i32 {
        %mul3A_78 = arith.constant 2 : i32
        %mul3A_79 = arith.muli %scan3A_77, %mul3A_78 : i32
        %add3A_80 = arith.constant 0 : i32
        %add3A_81 = arith.addi %mul3A_79, %add3A_80 : i32
        %dma_wait3A_82 = arith.constant 0 : i32
        %dma_wait3A_83 = arith.constant 0 : i32
        %dma_wait3A_84 = tpu.memref_slice %arg6[%add3A_81, %dma_wait3A_82, %dma_wait3A_83] : memref<40x2x125xi32, #tpu.memory_space<vmem>> -> memref<1x1x125xi32, #tpu.memory_space<vmem>>
        %dma_wait3A_85 = tpu.memref_squeeze %dma_wait3A_84 : memref<1x1x125xi32, #tpu.memory_space<vmem>> -> memref<125xi32, #tpu.memory_space<vmem>>
        %dma_wait3A_86 = arith.constant 0 : i32
        %dma_wait3A_87 = arith.constant 0 : i32
        %dma_wait3A_88 = tpu.memref_slice %arg2[%dma_wait3A_86, %dma_wait3A_87] : memref<10000x128xf32, #tpu.memory_space<hbm>> -> memref<10000x128xf32, #tpu.memory_space<hbm>>
        tpu.wait_indirect_dma semaphore(%arg10 : memref<!tpu.dma_semaphore, #tpu.memory_space<semaphore_mem>>) src(%dma_wait3A_88 : memref<10000x128xf32, #tpu.memory_space<hbm>>) dst(%arg7 : memref<125x128xf32, #tpu.memory_space<vmem>>)
        %dma_start3A_89 = arith.constant 1 : i32
        %dma_start3A_90 = arith.constant 0 : i32
        %dma_start3A_91 = tpu.memref_slice %arg6[%add3A_81, %dma_start3A_89, %dma_start3A_90] : memref<40x2x125xi32, #tpu.memory_space<vmem>> -> memref<1x1x125xi32, #tpu.memory_space<vmem>>
        %dma_start3A_92 = tpu.memref_squeeze %dma_start3A_91 : memref<1x1x125xi32, #tpu.memory_space<vmem>> -> memref<125xi32, #tpu.memory_space<vmem>>
        %dma_start3A_93 = arith.constant 0 : i32
        %dma_start3A_94 = arith.constant 0 : i32
        %dma_start3A_95 = tpu.memref_slice %arg9[%dma_start3A_93, %dma_start3A_94] : memref<10000x128xf32, #tpu.memory_space<vmem_shared>> -> memref<10000x128xf32, #tpu.memory_space<vmem_shared>>
        tpu.enqueue_indirect_dma source(%arg7 : memref<125x128xf32, #tpu.memory_space<vmem>>) target(%dma_start3A_95 : memref<10000x128xf32, #tpu.memory_space<vmem_shared>>) offsets(%dma_start3A_92 : memref<125xi32, #tpu.memory_space<vmem>>) semaphore(%arg12 : memref<!tpu.dma_semaphore, #tpu.memory_space<semaphore_mem>>) {add = true}
        %add3A_96 = arith.constant 1 : i32
        %add3A_97 = arith.addi %mul3A_79, %add3A_96 : i32
        %dma_wait3A_98 = arith.constant 0 : i32
        %dma_wait3A_99 = arith.constant 0 : i32
        %dma_wait3A_100 = tpu.memref_slice %arg6[%add3A_97, %dma_wait3A_98, %dma_wait3A_99] : memref<40x2x125xi32, #tpu.memory_space<vmem>> -> memref<1x1x125xi32, #tpu.memory_space<vmem>>
        %dma_wait3A_101 = tpu.memref_squeeze %dma_wait3A_100 : memref<1x1x125xi32, #tpu.memory_space<vmem>> -> memref<125xi32, #tpu.memory_space<vmem>>
        %dma_wait3A_102 = arith.constant 0 : i32
        %dma_wait3A_103 = arith.constant 0 : i32
        %dma_wait3A_104 = tpu.memref_slice %arg2[%dma_wait3A_102, %dma_wait3A_103] : memref<10000x128xf32, #tpu.memory_space<hbm>> -> memref<10000x128xf32, #tpu.memory_space<hbm>>
        tpu.wait_indirect_dma semaphore(%arg11 : memref<!tpu.dma_semaphore, #tpu.memory_space<semaphore_mem>>) src(%dma_wait3A_104 : memref<10000x128xf32, #tpu.memory_space<hbm>>) dst(%arg8 : memref<125x128xf32, #tpu.memory_space<vmem>>)
        %dma_start3A_105 = arith.constant 1 : i32
        %dma_start3A_106 = arith.constant 0 : i32
        %dma_start3A_107 = tpu.memref_slice %arg6[%add3A_97, %dma_start3A_105, %dma_start3A_106] : memref<40x2x125xi32, #tpu.memory_space<vmem>> -> memref<1x1x125xi32, #tpu.memory_space<vmem>>
        %dma_start3A_108 = tpu.memref_squeeze %dma_start3A_107 : memref<1x1x125xi32, #tpu.memory_space<vmem>> -> memref<125xi32, #tpu.memory_space<vmem>>
        %dma_start3A_109 = arith.constant 0 : i32
        %dma_start3A_110 = arith.constant 0 : i32
        %dma_start3A_111 = tpu.memref_slice %arg9[%dma_start3A_109, %dma_start3A_110] : memref<10000x128xf32, #tpu.memory_space<vmem_shared>> -> memref<10000x128xf32, #tpu.memory_space<vmem_shared>>
        tpu.enqueue_indirect_dma source(%arg8 : memref<125x128xf32, #tpu.memory_space<vmem>>) target(%dma_start3A_111 : memref<10000x128xf32, #tpu.memory_space<vmem_shared>>) offsets(%dma_start3A_108 : memref<125xi32, #tpu.memory_space<vmem>>) semaphore(%arg13 : memref<!tpu.dma_semaphore, #tpu.memory_space<semaphore_mem>>) {add = true}
        %add3A_112 = arith.constant 0 : i32
        %add3A_113 = arith.addi %mul3A_79, %add3A_112 : i32
        %add3A_114 = arith.constant 2 : i32
        %add3A_115 = arith.addi %add3A_113, %add3A_114 : i32
        %lt3A_116 = arith.constant 40 : i32
        %lt3A_117 = arith.cmpi slt, %add3A_115, %lt3A_116 : i32
        %convert_element_type3A_118 = arith.extui %lt3A_117 : i1 to i32
        %cond3A_119 = arith.constant 0 : i32
        %cond3A_120 = arith.cmpi ne, %convert_element_type3A_118, %cond3A_119 : i32
        scf.if %cond3A_120 {
          %dma_wait3A_130 = arith.constant 1 : i32
          %dma_wait3A_131 = arith.constant 0 : i32
          %dma_wait3A_132 = tpu.memref_slice %arg6[%add3A_113, %dma_wait3A_130, %dma_wait3A_131] : memref<40x2x125xi32, #tpu.memory_space<vmem>> -> memref<1x1x125xi32, #tpu.memory_space<vmem>>
          %dma_wait3A_133 = tpu.memref_squeeze %dma_wait3A_132 : memref<1x1x125xi32, #tpu.memory_space<vmem>> -> memref<125xi32, #tpu.memory_space<vmem>>
          %dma_wait3A_134 = arith.constant 0 : i32
          %dma_wait3A_135 = arith.constant 0 : i32
          %dma_wait3A_136 = tpu.memref_slice %arg9[%dma_wait3A_134, %dma_wait3A_135] : memref<10000x128xf32, #tpu.memory_space<vmem_shared>> -> memref<10000x128xf32, #tpu.memory_space<vmem_shared>>
          tpu.wait_indirect_dma semaphore(%arg12 : memref<!tpu.dma_semaphore, #tpu.memory_space<semaphore_mem>>) src(%arg7 : memref<125x128xf32, #tpu.memory_space<vmem>>) dst(%dma_wait3A_136 : memref<10000x128xf32, #tpu.memory_space<vmem_shared>>)
          %add3A_137 = arith.constant 2 : i32
          %add3A_138 = arith.addi %add3A_113, %add3A_137 : i32
          %dma_start3A_139 = arith.constant 0 : i32
          %dma_start3A_140 = arith.constant 0 : i32
          %dma_start3A_141 = tpu.memref_slice %arg6[%add3A_138, %dma_start3A_139, %dma_start3A_140] : memref<40x2x125xi32, #tpu.memory_space<vmem>> -> memref<1x1x125xi32, #tpu.memory_space<vmem>>
          %dma_start3A_142 = tpu.memref_squeeze %dma_start3A_141 : memref<1x1x125xi32, #tpu.memory_space<vmem>> -> memref<125xi32, #tpu.memory_space<vmem>>
          %dma_start3A_143 = arith.constant 0 : i32
          %dma_start3A_144 = arith.constant 0 : i32
          %dma_start3A_145 = tpu.memref_slice %arg2[%dma_start3A_143, %dma_start3A_144] : memref<10000x128xf32, #tpu.memory_space<hbm>> -> memref<10000x128xf32, #tpu.memory_space<hbm>>
          tpu.enqueue_indirect_dma source(%dma_start3A_145 : memref<10000x128xf32, #tpu.memory_space<hbm>>) target(%arg7 : memref<125x128xf32, #tpu.memory_space<vmem>>) offsets(%dma_start3A_142 : memref<125xi32, #tpu.memory_space<vmem>>) semaphore(%arg10 : memref<!tpu.dma_semaphore, #tpu.memory_space<semaphore_mem>>)
        } else {
        }
        %add3A_121 = arith.constant 1 : i32
        %add3A_122 = arith.addi %mul3A_79, %add3A_121 : i32
        %add3A_123 = arith.constant 2 : i32
        %add3A_124 = arith.addi %add3A_122, %add3A_123 : i32
        %lt3A_125 = arith.constant 40 : i32
        %lt3A_126 = arith.cmpi slt, %add3A_124, %lt3A_125 : i32
        %convert_element_type3A_127 = arith.extui %lt3A_126 : i1 to i32
        %cond3A_128 = arith.constant 0 : i32
        %cond3A_129 = arith.cmpi ne, %convert_element_type3A_127, %cond3A_128 : i32
        scf.if %cond3A_129 {
          %dma_wait3A_130 = arith.constant 1 : i32
          %dma_wait3A_131 = arith.constant 0 : i32
          %dma_wait3A_132 = tpu.memref_slice %arg6[%add3A_122, %dma_wait3A_130, %dma_wait3A_131] : memref<40x2x125xi32, #tpu.memory_space<vmem>> -> memref<1x1x125xi32, #tpu.memory_space<vmem>>
          %dma_wait3A_133 = tpu.memref_squeeze %dma_wait3A_132 : memref<1x1x125xi32, #tpu.memory_space<vmem>> -> memref<125xi32, #tpu.memory_space<vmem>>
          %dma_wait3A_134 = arith.constant 0 : i32
          %dma_wait3A_135 = arith.constant 0 : i32
          %dma_wait3A_136 = tpu.memref_slice %arg9[%dma_wait3A_134, %dma_wait3A_135] : memref<10000x128xf32, #tpu.memory_space<vmem_shared>> -> memref<10000x128xf32, #tpu.memory_space<vmem_shared>>
          tpu.wait_indirect_dma semaphore(%arg13 : memref<!tpu.dma_semaphore, #tpu.memory_space<semaphore_mem>>) src(%arg8 : memref<125x128xf32, #tpu.memory_space<vmem>>) dst(%dma_wait3A_136 : memref<10000x128xf32, #tpu.memory_space<vmem_shared>>)
          %add3A_137 = arith.constant 2 : i32
          %add3A_138 = arith.addi %add3A_122, %add3A_137 : i32
          %dma_start3A_139 = arith.constant 0 : i32
          %dma_start3A_140 = arith.constant 0 : i32
          %dma_start3A_141 = tpu.memref_slice %arg6[%add3A_138, %dma_start3A_139, %dma_start3A_140] : memref<40x2x125xi32, #tpu.memory_space<vmem>> -> memref<1x1x125xi32, #tpu.memory_space<vmem>>
          %dma_start3A_142 = tpu.memref_squeeze %dma_start3A_141 : memref<1x1x125xi32, #tpu.memory_space<vmem>> -> memref<125xi32, #tpu.memory_space<vmem>>
          %dma_start3A_143 = arith.constant 0 : i32
          %dma_start3A_144 = arith.constant 0 : i32
          %dma_start3A_145 = tpu.memref_slice %arg2[%dma_start3A_143, %dma_start3A_144] : memref<10000x128xf32, #tpu.memory_space<hbm>> -> memref<10000x128xf32, #tpu.memory_space<hbm>>
          tpu.enqueue_indirect_dma source(%dma_start3A_145 : memref<10000x128xf32, #tpu.memory_space<hbm>>) target(%arg8 : memref<125x128xf32, #tpu.memory_space<vmem>>) offsets(%dma_start3A_142 : memref<125xi32, #tpu.memory_space<vmem>>) semaphore(%arg11 : memref<!tpu.dma_semaphore, #tpu.memory_space<semaphore_mem>>)
        } else {
        }
      }
      %scan3A_61 = arith.constant 20 : i32
      %dma_wait3A = arith.constant 38 : i32
      %dma_wait3A_62 = arith.constant 1 : i32
      %dma_wait3A_63 = arith.constant 0 : i32
      %dma_wait3A_64 = tpu.memref_slice %arg6[%dma_wait3A, %dma_wait3A_62, %dma_wait3A_63] : memref<40x2x125xi32, #tpu.memory_space<vmem>> -> memref<1x1x125xi32, #tpu.memory_space<vmem>>
      %dma_wait3A_65 = tpu.memref_squeeze %dma_wait3A_64 : memref<1x1x125xi32, #tpu.memory_space<vmem>> -> memref<125xi32, #tpu.memory_space<vmem>>
      %dma_wait3A_66 = arith.constant 0 : i32
      %dma_wait3A_67 = arith.constant 0 : i32
      %dma_wait3A_68 = tpu.memref_slice %arg9[%dma_wait3A_66, %dma_wait3A_67] : memref<10000x128xf32, #tpu.memory_space<vmem_shared>> -> memref<10000x128xf32, #tpu.memory_space<vmem_shared>>
      tpu.wait_indirect_dma semaphore(%arg12 : memref<!tpu.dma_semaphore, #tpu.memory_space<semaphore_mem>>) src(%arg7 : memref<125x128xf32, #tpu.memory_space<vmem>>) dst(%dma_wait3A_68 : memref<10000x128xf32, #tpu.memory_space<vmem_shared>>)
      %dma_wait3A_69 = arith.constant 39 : i32
      %dma_wait3A_70 = arith.constant 1 : i32
      %dma_wait3A_71 = arith.constant 0 : i32
      %dma_wait3A_72 = tpu.memref_slice %arg6[%dma_wait3A_69, %dma_wait3A_70, %dma_wait3A_71] : memref<40x2x125xi32, #tpu.memory_space<vmem>> -> memref<1x1x125xi32, #tpu.memory_space<vmem>>
      %dma_wait3A_73 = tpu.memref_squeeze %dma_wait3A_72 : memref<1x1x125xi32, #tpu.memory_space<vmem>> -> memref<125xi32, #tpu.memory_space<vmem>>
      %dma_wait3A_74 = arith.constant 0 : i32
      %dma_wait3A_75 = arith.constant 0 : i32
      %dma_wait3A_76 = tpu.memref_slice %arg9[%dma_wait3A_74, %dma_wait3A_75] : memref<10000x128xf32, #tpu.memory_space<vmem_shared>> -> memref<10000x128xf32, #tpu.memory_space<vmem_shared>>
      tpu.wait_indirect_dma semaphore(%arg13 : memref<!tpu.dma_semaphore, #tpu.memory_space<semaphore_mem>>) src(%arg8 : memref<125x128xf32, #tpu.memory_space<vmem>>) dst(%dma_wait3A_76 : memref<10000x128xf32, #tpu.memory_space<vmem_shared>>)
    }
    %scan3A_20 = arith.constant 2 : i32
    %barrier3A_21 = arith.constant 0 : index
    tpu.barrier barrier_id(%barrier3A_21)
    %while3A_22 = arith.constant 0 : i32
    %while3A_23 = arith.constant 0 : i32
    %while3A_24 = arith.subi %select_n3A, %while3A_23 : i32
    %while3A_25 = arith.addi %while3A_23, %while3A_24 : i32
    %while3A_26 = arith.constant 1 : i32
    %while3A_27 = arith.divsi %while3A_24, %while3A_26 : i32
    %while3A_28 = arith.muli %while3A_27, %while3A_26 : i32
    %while3A_29 = arith.addi %while3A_23, %while3A_28 : i32
    %while3A_30 = arith.constant 1 : i32
    scf.for %while3A_37 = %while3A_23 to %while3A_29 step %while3A_30  : i32 {
      %mul3A_38 = arith.constant 16 : i32
      %mul3A_39 = arith.muli %while3A_37, %mul3A_38 : i32
      %add3A_40 = arith.addi %arg1, %mul3A_39 : i32
      %mul3A_41 = arith.constant 128 : i32
      %mul3A_42 = arith.muli %add3A_40, %mul3A_41 : i32
      "tpu.region"() ({
        %run_scoped3A = tpu.sem_alloc : memref<!tpu.dma_semaphore, #tpu.memory_space<semaphore_mem>>
        %dma_start3A = arith.constant 0 : i32
        %dma_start3A_43 = tpu.memref_slice %arg5[%arg0, %mul3A_42, %dma_start3A] : memref<2x10000x128xf32, #tpu.memory_space<hbm>> -> memref<1x128x128xf32, #tpu.memory_space<hbm>>
        %dma_start3A_44 = tpu.memref_squeeze %dma_start3A_43 : memref<1x128x128xf32, #tpu.memory_space<hbm>> -> memref<128x128xf32, #tpu.memory_space<hbm>>
        %dma_start3A_45 = arith.constant 0 : i32
        %dma_start3A_46 = tpu.memref_slice %arg9[%mul3A_42, %dma_start3A_45] : memref<10000x128xf32, #tpu.memory_space<vmem_shared>> -> memref<128x128xf32, #tpu.memory_space<vmem_shared>>
        tpu.enqueue_dma source(%dma_start3A_46 : memref<128x128xf32, #tpu.memory_space<vmem_shared>>) target(%dma_start3A_44 : memref<128x128xf32, #tpu.memory_space<hbm>>) target_semaphore(%run_scoped3A : memref<!tpu.dma_semaphore, #tpu.memory_space<semaphore_mem>>)
        %dma_wait3A = arith.constant 0 : i32
        %dma_wait3A_47 = tpu.memref_slice %arg5[%arg0, %mul3A_42, %dma_wait3A] : memref<2x10000x128xf32, #tpu.memory_space<hbm>> -> memref<1x128x128xf32, #tpu.memory_space<hbm>>
        %dma_wait3A_48 = tpu.memref_squeeze %dma_wait3A_47 : memref<1x128x128xf32, #tpu.memory_space<hbm>> -> memref<128x128xf32, #tpu.memory_space<hbm>>
        %dma_wait3A_49 = arith.constant 0 : i32
        %dma_wait3A_50 = tpu.memref_slice %arg9[%mul3A_42, %dma_wait3A_49] : memref<10000x128xf32, #tpu.memory_space<vmem_shared>> -> memref<128x128xf32, #tpu.memory_space<vmem_shared>>
        tpu.wait_dma2 semaphore(%run_scoped3A : memref<!tpu.dma_semaphore, #tpu.memory_space<semaphore_mem>>) src(%dma_wait3A_50 : memref<128x128xf32, #tpu.memory_space<vmem_shared>>) dst(%dma_wait3A_48 : memref<128x128xf32, #tpu.memory_space<hbm>>)
        tpu.yield
      }) : () -> ()
    }
    %while3A_31 = arith.constant 1 : i32
    scf.for %while3A_37 = %while3A_29 to %while3A_25 step %while3A_31  : i32 {
      %mul3A_38 = arith.constant 16 : i32
      %mul3A_39 = arith.muli %while3A_37, %mul3A_38 : i32
      %add3A_40 = arith.addi %arg1, %mul3A_39 : i32
      %mul3A_41 = arith.constant 128 : i32
      %mul3A_42 = arith.muli %add3A_40, %mul3A_41 : i32
      "tpu.region"() ({
        %run_scoped3A = tpu.sem_alloc : memref<!tpu.dma_semaphore, #tpu.memory_space<semaphore_mem>>
        %dma_start3A = arith.constant 0 : i32
        %dma_start3A_43 = tpu.memref_slice %arg5[%arg0, %mul3A_42, %dma_start3A] : memref<2x10000x128xf32, #tpu.memory_space<hbm>> -> memref<1x128x128xf32, #tpu.memory_space<hbm>>
        %dma_start3A_44 = tpu.memref_squeeze %dma_start3A_43 : memref<1x128x128xf32, #tpu.memory_space<hbm>> -> memref<128x128xf32, #tpu.memory_space<hbm>>
        %dma_start3A_45 = arith.constant 0 : i32
        %dma_start3A_46 = tpu.memref_slice %arg9[%mul3A_42, %dma_start3A_45] : memref<10000x128xf32, #tpu.memory_space<vmem_shared>> -> memref<128x128xf32, #tpu.memory_space<vmem_shared>>
        tpu.enqueue_dma source(%dma_start3A_46 : memref<128x128xf32, #tpu.memory_space<vmem_shared>>) target(%dma_start3A_44 : memref<128x128xf32, #tpu.memory_space<hbm>>) target_semaphore(%run_scoped3A : memref<!tpu.dma_semaphore, #tpu.memory_space<semaphore_mem>>)
        %dma_wait3A = arith.constant 0 : i32
        %dma_wait3A_47 = tpu.memref_slice %arg5[%arg0, %mul3A_42, %dma_wait3A] : memref<2x10000x128xf32, #tpu.memory_space<hbm>> -> memref<1x128x128xf32, #tpu.memory_space<hbm>>
        %dma_wait3A_48 = tpu.memref_squeeze %dma_wait3A_47 : memref<1x128x128xf32, #tpu.memory_space<hbm>> -> memref<128x128xf32, #tpu.memory_space<hbm>>
        %dma_wait3A_49 = arith.constant 0 : i32
        %dma_wait3A_50 = tpu.memref_slice %arg9[%mul3A_42, %dma_wait3A_49] : memref<10000x128xf32, #tpu.memory_space<vmem_shared>> -> memref<128x128xf32, #tpu.memory_space<vmem_shared>>
        tpu.wait_dma2 semaphore(%run_scoped3A : memref<!tpu.dma_semaphore, #tpu.memory_space<semaphore_mem>>) src(%dma_wait3A_50 : memref<128x128xf32, #tpu.memory_space<vmem_shared>>) dst(%dma_wait3A_48 : memref<128x128xf32, #tpu.memory_space<hbm>>)
        tpu.yield
      }) : () -> ()
    }
    %eq3A_32 = arith.constant 15 : i32
    %eq3A_33 = arith.cmpi eq, %arg1, %eq3A_32 : i32
    %convert_element_type3A_34 = arith.extui %eq3A_33 : i1 to i32
    %cond3A_35 = arith.constant 0 : i32
    %cond3A_36 = arith.cmpi ne, %convert_element_type3A_34, %cond3A_35 : i32
    scf.if %cond3A_36 {
      "tpu.region"() ({
        %run_scoped3A = tpu.sem_alloc : memref<!tpu.dma_semaphore, #tpu.memory_space<semaphore_mem>>
        %dma_start3A = arith.constant 9984 : i32
        %dma_start3A_37 = arith.constant 0 : i32
        %dma_start3A_38 = tpu.memref_slice %arg5[%arg0, %dma_start3A, %dma_start3A_37] : memref<2x10000x128xf32, #tpu.memory_space<hbm>> -> memref<1x16x128xf32, #tpu.memory_space<hbm>>
        %dma_start3A_39 = tpu.memref_squeeze %dma_start3A_38 : memref<1x16x128xf32, #tpu.memory_space<hbm>> -> memref<16x128xf32, #tpu.memory_space<hbm>>
        %dma_start3A_40 = arith.constant 9984 : i32
        %dma_start3A_41 = arith.constant 0 : i32
        %dma_start3A_42 = tpu.memref_slice %arg9[%dma_start3A_40, %dma_start3A_41] : memref<10000x128xf32, #tpu.memory_space<vmem_shared>> -> memref<16x128xf32, #tpu.memory_space<vmem_shared>>
        tpu.enqueue_dma source(%dma_start3A_42 : memref<16x128xf32, #tpu.memory_space<vmem_shared>>) target(%dma_start3A_39 : memref<16x128xf32, #tpu.memory_space<hbm>>) target_semaphore(%run_scoped3A : memref<!tpu.dma_semaphore, #tpu.memory_space<semaphore_mem>>)
        %dma_wait3A = arith.constant 9984 : i32
        %dma_wait3A_43 = arith.constant 0 : i32
        %dma_wait3A_44 = tpu.memref_slice %arg5[%arg0, %dma_wait3A, %dma_wait3A_43] : memref<2x10000x128xf32, #tpu.memory_space<hbm>> -> memref<1x16x128xf32, #tpu.memory_space<hbm>>
        %dma_wait3A_45 = tpu.memref_squeeze %dma_wait3A_44 : memref<1x16x128xf32, #tpu.memory_space<hbm>> -> memref<16x128xf32, #tpu.memory_space<hbm>>
        %dma_wait3A_46 = arith.constant 9984 : i32
        %dma_wait3A_47 = arith.constant 0 : i32
        %dma_wait3A_48 = tpu.memref_slice %arg9[%dma_wait3A_46, %dma_wait3A_47] : memref<10000x128xf32, #tpu.memory_space<vmem_shared>> -> memref<16x128xf32, #tpu.memory_space<vmem_shared>>
        tpu.wait_dma2 semaphore(%run_scoped3A : memref<!tpu.dma_semaphore, #tpu.memory_space<semaphore_mem>>) src(%dma_wait3A_48 : memref<16x128xf32, #tpu.memory_space<vmem_shared>>) dst(%dma_wait3A_45 : memref<16x128xf32, #tpu.memory_space<hbm>>)
        tpu.yield
      }) : () -> ()
    } else {
    }
    return
  }
}

module attributes {stable_mosaic.version = 14 : i64} {
  func.func @_mlp1_body(%arg0: i32, %arg1: memref<2x2000x128xf32, #tpu.memory_space<vmem>>, %arg2: memref<128x128xf32, #tpu.memory_space<vmem>>, %arg3: memref<1x128xf32, #tpu.memory_space<vmem>>, %arg4: memref<128x128xf32, #tpu.memory_space<vmem>>, %arg5: memref<1x128xf32, #tpu.memory_space<vmem>>, %arg6: memref<2000x128xf32, #tpu.memory_space<vmem>>) attributes {dimension_semantics = [#tpu.dimension_semantics<arbitrary>], iteration_bounds = array<i64: 5>, scalar_prefetch = 0 : i64, scratch_operands = 0 : i64, tpu.core_type = #tpu.core_type<tc>, window_params = [{transform_indices = @transform_0, window_bounds = array<i64: 2, 2000, 128>}, {pipeline_mode = #tpu.pipeline_mode<synchronous>, transform_indices = @transform_1, window_bounds = array<i64: 128, 128>}, {pipeline_mode = #tpu.pipeline_mode<synchronous>, transform_indices = @transform_2, window_bounds = array<i64: 1, 128>}, {pipeline_mode = #tpu.pipeline_mode<synchronous>, transform_indices = @transform_3, window_bounds = array<i64: 128, 128>}, {pipeline_mode = #tpu.pipeline_mode<synchronous>, transform_indices = @transform_4, window_bounds = array<i64: 1, 128>}, {transform_indices = @transform_5, window_bounds = array<i64: 2000, 128>}]} {
    %get3A = arith.constant 0 : index
    %get3A_0 = arith.constant 0 : index
    %get3A_1 = arith.constant 0 : index
    %get3A_2 = vector.load %arg1[%get3A, %get3A_0, %get3A_1] : memref<2x2000x128xf32, #tpu.memory_space<vmem>>, vector<1x2000x128xf32>
    %get3A_3 = vector.shape_cast %get3A_2 : vector<1x2000x128xf32> to vector<2000x128xf32>
    %get3A_4 = arith.constant 1 : index
    %get3A_5 = arith.constant 0 : index
    %get3A_6 = arith.constant 0 : index
    %get3A_7 = vector.load %arg1[%get3A_4, %get3A_5, %get3A_6] : memref<2x2000x128xf32, #tpu.memory_space<vmem>>, vector<1x2000x128xf32>
    %get3A_8 = vector.shape_cast %get3A_7 : vector<1x2000x128xf32> to vector<2000x128xf32>
    %add3A = arith.addf %get3A_3, %get3A_8 : vector<2000x128xf32>
    %get3A_9 = arith.constant 0 : index
    %get3A_10 = arith.constant 0 : index
    %get3A_11 = vector.load %arg2[%get3A_9, %get3A_10] : memref<128x128xf32, #tpu.memory_space<vmem>>, vector<128x128xf32>
    %dot_general3A = arith.constant dense<0.000000e+00> : vector<2000x128xf32>
    %dot_general3A_12 = tpu.matmul %add3A, %get3A_11, %dot_general3A {dimension_numbers = #tpu.dot_dimension_numbers<[1], [0], [0], [1], [0, 0, 1, 1], [], []>, transpose_lhs_hint = false} : vector<2000x128xf32>, vector<128x128xf32>, vector<2000x128xf32> -> vector<2000x128xf32>
    %get3A_13 = arith.constant 0 : index
    %get3A_14 = arith.constant 0 : index
    %get3A_15 = vector.load %arg3[%get3A_13, %get3A_14] : memref<1x128xf32, #tpu.memory_space<vmem>>, vector<1x128xf32>
    %add3A_16 = vector.broadcast %get3A_15 : vector<1x128xf32> to vector<2000x128xf32>
    %add3A_17 = arith.addf %dot_general3A_12, %add3A_16 : vector<2000x128xf32>
    %max3A = arith.constant 0.000000e+00 : f32
    %max3A_18 = vector.broadcast %max3A : f32 to vector<2000x128xf32>
    %max3A_19 = arith.maximumf %add3A_17, %max3A_18 : vector<2000x128xf32>
    %get3A_20 = arith.constant 0 : index
    %get3A_21 = arith.constant 0 : index
    %get3A_22 = vector.load %arg4[%get3A_20, %get3A_21] : memref<128x128xf32, #tpu.memory_space<vmem>>, vector<128x128xf32>
    %dot_general3A_23 = arith.constant dense<0.000000e+00> : vector<2000x128xf32>
    %dot_general3A_24 = tpu.matmul %max3A_19, %get3A_22, %dot_general3A_23 {dimension_numbers = #tpu.dot_dimension_numbers<[1], [0], [0], [1], [0, 0, 1, 1], [], []>, transpose_lhs_hint = false} : vector<2000x128xf32>, vector<128x128xf32>, vector<2000x128xf32> -> vector<2000x128xf32>
    %get3A_25 = arith.constant 0 : index
    %get3A_26 = arith.constant 0 : index
    %get3A_27 = vector.load %arg5[%get3A_25, %get3A_26] : memref<1x128xf32, #tpu.memory_space<vmem>>, vector<1x128xf32>
    %add3A_28 = vector.broadcast %get3A_27 : vector<1x128xf32> to vector<2000x128xf32>
    %add3A_29 = arith.addf %dot_general3A_24, %add3A_28 : vector<2000x128xf32>
    %max3A_30 = arith.constant 0.000000e+00 : f32
    %max3A_31 = vector.broadcast %max3A_30 : f32 to vector<2000x128xf32>
    %max3A_32 = arith.maximumf %add3A_29, %max3A_31 : vector<2000x128xf32>
    %swap3A = arith.constant 0 : index
    %swap3A_33 = arith.constant 0 : index
    %swap3A_34 = vector.load %arg6[%swap3A, %swap3A_33] : memref<2000x128xf32, #tpu.memory_space<vmem>>, vector<2000x128xf32>
    tpu.vector_store %arg6[%swap3A, %swap3A_33], %max3A_32 {strides = array<i32>} : memref<2000x128xf32, #tpu.memory_space<vmem>>, vector<2000x128xf32>,
    return
  }
  func.func @transform_0(%arg0: i32) -> (i32, i32, i32) {
    %c0_i32 = arith.constant 0 : i32
    %c0_i32_0 = arith.constant 0 : i32
    %c0_i32_1 = arith.constant 0 : i32
    return %c0_i32, %arg0, %c0_i32_0 : i32, i32, i32
  }
  func.func @transform_1(%arg0: i32) -> (i32, i32) {
    %c0_i32 = arith.constant 0 : i32
    %c0_i32_0 = arith.constant 0 : i32
    %c0_i32_1 = arith.constant 0 : i32
    return %c0_i32, %c0_i32_0 : i32, i32
  }
  func.func @transform_2(%arg0: i32) -> (i32, i32) {
    %c0_i32 = arith.constant 0 : i32
    %c0_i32_0 = arith.constant 0 : i32
    %c0_i32_1 = arith.constant 0 : i32
    return %c0_i32, %c0_i32_0 : i32, i32
  }
  func.func @transform_3(%arg0: i32) -> (i32, i32) {
    %c0_i32 = arith.constant 0 : i32
    %c0_i32_0 = arith.constant 0 : i32
    %c0_i32_1 = arith.constant 0 : i32
    return %c0_i32, %c0_i32_0 : i32, i32
  }
  func.func @transform_4(%arg0: i32) -> (i32, i32) {
    %c0_i32 = arith.constant 0 : i32
    %c0_i32_0 = arith.constant 0 : i32
    %c0_i32_1 = arith.constant 0 : i32
    return %c0_i32, %c0_i32_0 : i32, i32
  }
  func.func @transform_5(%arg0: i32) -> (i32, i32) {
    %c0_i32 = arith.constant 0 : i32
    %c0_i32_0 = arith.constant 0 : i32
    return %arg0, %c0_i32 : i32, i32
  }
}

module attributes {stable_mosaic.version = 14 : i64} {
  func.func @_mlp2_body(%arg0: i32, %arg1: memref<2x2000x128xf32, #tpu.memory_space<vmem>>, %arg2: memref<128x128xf32, #tpu.memory_space<vmem>>, %arg3: memref<1x128xf32, #tpu.memory_space<vmem>>, %arg4: memref<128x128xf32, #tpu.memory_space<vmem>>, %arg5: memref<1x128xf32, #tpu.memory_space<vmem>>, %arg6: memref<128x128xf32, #tpu.memory_space<vmem>>, %arg7: memref<1x128xf32, #tpu.memory_space<vmem>>, %arg8: memref<128x128xf32, #tpu.memory_space<vmem>>, %arg9: memref<1x128xf32, #tpu.memory_space<vmem>>, %arg10: memref<2000x128xf32, #tpu.memory_space<vmem>>) attributes {dimension_semantics = [#tpu.dimension_semantics<arbitrary>], iteration_bounds = array<i64: 5>, scalar_prefetch = 0 : i64, scratch_operands = 0 : i64, tpu.core_type = #tpu.core_type<tc>, window_params = [{transform_indices = @transform_0, window_bounds = array<i64: 2, 2000, 128>}, {pipeline_mode = #tpu.pipeline_mode<synchronous>, transform_indices = @transform_1, window_bounds = array<i64: 128, 128>}, {pipeline_mode = #tpu.pipeline_mode<synchronous>, transform_indices = @transform_2, window_bounds = array<i64: 1, 128>}, {pipeline_mode = #tpu.pipeline_mode<synchronous>, transform_indices = @transform_3, window_bounds = array<i64: 128, 128>}, {pipeline_mode = #tpu.pipeline_mode<synchronous>, transform_indices = @transform_4, window_bounds = array<i64: 1, 128>}, {pipeline_mode = #tpu.pipeline_mode<synchronous>, transform_indices = @transform_5, window_bounds = array<i64: 128, 128>}, {pipeline_mode = #tpu.pipeline_mode<synchronous>, transform_indices = @transform_6, window_bounds = array<i64: 1, 128>}, {pipeline_mode = #tpu.pipeline_mode<synchronous>, transform_indices = @transform_7, window_bounds = array<i64: 128, 128>}, {pipeline_mode = #tpu.pipeline_mode<synchronous>, transform_indices = @transform_8, window_bounds = array<i64: 1, 128>}, {transform_indices = @transform_9, window_bounds = array<i64: 2000, 128>}]} {
    %get3A = arith.constant 0 : index
    %get3A_0 = arith.constant 0 : index
    %get3A_1 = arith.constant 0 : index
    %get3A_2 = vector.load %arg1[%get3A, %get3A_0, %get3A_1] : memref<2x2000x128xf32, #tpu.memory_space<vmem>>, vector<1x2000x128xf32>
    %get3A_3 = vector.shape_cast %get3A_2 : vector<1x2000x128xf32> to vector<2000x128xf32>
    %get3A_4 = arith.constant 1 : index
    %get3A_5 = arith.constant 0 : index
    %get3A_6 = arith.constant 0 : index
    %get3A_7 = vector.load %arg1[%get3A_4, %get3A_5, %get3A_6] : memref<2x2000x128xf32, #tpu.memory_space<vmem>>, vector<1x2000x128xf32>
    %get3A_8 = vector.shape_cast %get3A_7 : vector<1x2000x128xf32> to vector<2000x128xf32>
    %add3A = arith.addf %get3A_3, %get3A_8 : vector<2000x128xf32>
    %get3A_9 = arith.constant 0 : index
    %get3A_10 = arith.constant 0 : index
    %get3A_11 = vector.load %arg2[%get3A_9, %get3A_10] : memref<128x128xf32, #tpu.memory_space<vmem>>, vector<128x128xf32>
    %dot_general3A = arith.constant dense<0.000000e+00> : vector<2000x128xf32>
    %dot_general3A_12 = tpu.matmul %add3A, %get3A_11, %dot_general3A {dimension_numbers = #tpu.dot_dimension_numbers<[1], [0], [0], [1], [0, 0, 1, 1], [], []>, transpose_lhs_hint = false} : vector<2000x128xf32>, vector<128x128xf32>, vector<2000x128xf32> -> vector<2000x128xf32>
    %get3A_13 = arith.constant 0 : index
    %get3A_14 = arith.constant 0 : index
    %get3A_15 = vector.load %arg3[%get3A_13, %get3A_14] : memref<1x128xf32, #tpu.memory_space<vmem>>, vector<1x128xf32>
    %add3A_16 = vector.broadcast %get3A_15 : vector<1x128xf32> to vector<2000x128xf32>
    %add3A_17 = arith.addf %dot_general3A_12, %add3A_16 : vector<2000x128xf32>
    %max3A = arith.constant 0.000000e+00 : f32
    %max3A_18 = vector.broadcast %max3A : f32 to vector<2000x128xf32>
    %max3A_19 = arith.maximumf %add3A_17, %max3A_18 : vector<2000x128xf32>
    %get3A_20 = arith.constant 0 : index
    %get3A_21 = arith.constant 0 : index
    %get3A_22 = vector.load %arg4[%get3A_20, %get3A_21] : memref<128x128xf32, #tpu.memory_space<vmem>>, vector<128x128xf32>
    %dot_general3A_23 = arith.constant dense<0.000000e+00> : vector<2000x128xf32>
    %dot_general3A_24 = tpu.matmul %max3A_19, %get3A_22, %dot_general3A_23 {dimension_numbers = #tpu.dot_dimension_numbers<[1], [0], [0], [1], [0, 0, 1, 1], [], []>, transpose_lhs_hint = false} : vector<2000x128xf32>, vector<128x128xf32>, vector<2000x128xf32> -> vector<2000x128xf32>
    %get3A_25 = arith.constant 0 : index
    %get3A_26 = arith.constant 0 : index
    %get3A_27 = vector.load %arg5[%get3A_25, %get3A_26] : memref<1x128xf32, #tpu.memory_space<vmem>>, vector<1x128xf32>
    %add3A_28 = vector.broadcast %get3A_27 : vector<1x128xf32> to vector<2000x128xf32>
    %add3A_29 = arith.addf %dot_general3A_24, %add3A_28 : vector<2000x128xf32>
    %max3A_30 = arith.constant 0.000000e+00 : f32
    %max3A_31 = vector.broadcast %max3A_30 : f32 to vector<2000x128xf32>
    %max3A_32 = arith.maximumf %add3A_29, %max3A_31 : vector<2000x128xf32>
    %get3A_33 = arith.constant 0 : index
    %get3A_34 = arith.constant 0 : index
    %get3A_35 = vector.load %arg6[%get3A_33, %get3A_34] : memref<128x128xf32, #tpu.memory_space<vmem>>, vector<128x128xf32>
    %dot_general3A_36 = arith.constant dense<0.000000e+00> : vector<2000x128xf32>
    %dot_general3A_37 = tpu.matmul %max3A_32, %get3A_35, %dot_general3A_36 {dimension_numbers = #tpu.dot_dimension_numbers<[1], [0], [0], [1], [0, 0, 1, 1], [], []>, transpose_lhs_hint = false} : vector<2000x128xf32>, vector<128x128xf32>, vector<2000x128xf32> -> vector<2000x128xf32>
    %get3A_38 = arith.constant 0 : index
    %get3A_39 = arith.constant 0 : index
    %get3A_40 = vector.load %arg7[%get3A_38, %get3A_39] : memref<1x128xf32, #tpu.memory_space<vmem>>, vector<1x128xf32>
    %add3A_41 = vector.broadcast %get3A_40 : vector<1x128xf32> to vector<2000x128xf32>
    %add3A_42 = arith.addf %dot_general3A_37, %add3A_41 : vector<2000x128xf32>
    %max3A_43 = arith.constant 0.000000e+00 : f32
    %max3A_44 = vector.broadcast %max3A_43 : f32 to vector<2000x128xf32>
    %max3A_45 = arith.maximumf %add3A_42, %max3A_44 : vector<2000x128xf32>
    %get3A_46 = arith.constant 0 : index
    %get3A_47 = arith.constant 0 : index
    %get3A_48 = vector.load %arg8[%get3A_46, %get3A_47] : memref<128x128xf32, #tpu.memory_space<vmem>>, vector<128x128xf32>
    %dot_general3A_49 = arith.constant dense<0.000000e+00> : vector<2000x128xf32>
    %dot_general3A_50 = tpu.matmul %max3A_45, %get3A_48, %dot_general3A_49 {dimension_numbers = #tpu.dot_dimension_numbers<[1], [0], [0], [1], [0, 0, 1, 1], [], []>, transpose_lhs_hint = false} : vector<2000x128xf32>, vector<128x128xf32>, vector<2000x128xf32> -> vector<2000x128xf32>
    %get3A_51 = arith.constant 0 : index
    %get3A_52 = arith.constant 0 : index
    %get3A_53 = vector.load %arg9[%get3A_51, %get3A_52] : memref<1x128xf32, #tpu.memory_space<vmem>>, vector<1x128xf32>
    %add3A_54 = vector.broadcast %get3A_53 : vector<1x128xf32> to vector<2000x128xf32>
    %add3A_55 = arith.addf %dot_general3A_50, %add3A_54 : vector<2000x128xf32>
    %swap3A = arith.constant 0 : index
    %swap3A_56 = arith.constant 0 : index
    %swap3A_57 = vector.load %arg10[%swap3A, %swap3A_56] : memref<2000x128xf32, #tpu.memory_space<vmem>>, vector<2000x128xf32>
    tpu.vector_store %arg10[%swap3A, %swap3A_56], %add3A_55 {strides = array<i32>} : memref<2000x128xf32, #tpu.memory_space<vmem>>, vector<2000x128xf32>,
    return
  }
  func.func @transform_0(%arg0: i32) -> (i32, i32, i32) {
    %c0_i32 = arith.constant 0 : i32
    %c0_i32_0 = arith.constant 0 : i32
    %c0_i32_1 = arith.constant 0 : i32
    return %c0_i32, %arg0, %c0_i32_0 : i32, i32, i32
  }
  func.func @transform_1(%arg0: i32) -> (i32, i32) {
    %c0_i32 = arith.constant 0 : i32
    %c0_i32_0 = arith.constant 0 : i32
    %c0_i32_1 = arith.constant 0 : i32
    return %c0_i32, %c0_i32_0 : i32, i32
  }
  func.func @transform_2(%arg0: i32) -> (i32, i32) {
    %c0_i32 = arith.constant 0 : i32
    %c0_i32_0 = arith.constant 0 : i32
    %c0_i32_1 = arith.constant 0 : i32
    return %c0_i32, %c0_i32_0 : i32, i32
  }
  func.func @transform_3(%arg0: i32) -> (i32, i32) {
    %c0_i32 = arith.constant 0 : i32
    %c0_i32_0 = arith.constant 0 : i32
    %c0_i32_1 = arith.constant 0 : i32
    return %c0_i32, %c0_i32_0 : i32, i32
  }
  func.func @transform_4(%arg0: i32) -> (i32, i32) {
    %c0_i32 = arith.constant 0 : i32
    %c0_i32_0 = arith.constant 0 : i32
    %c0_i32_1 = arith.constant 0 : i32
    return %c0_i32, %c0_i32_0 : i32, i32
  }
  func.func @transform_5(%arg0: i32) -> (i32, i32) {
    %c0_i32 = arith.constant 0 : i32
    %c0_i32_0 = arith.constant 0 : i32
    %c0_i32_1 = arith.constant 0 : i32
    return %c0_i32, %c0_i32_0 : i32, i32
  }
  func.func @transform_6(%arg0: i32) -> (i32, i32) {
    %c0_i32 = arith.constant 0 : i32
    %c0_i32_0 = arith.constant 0 : i32
    %c0_i32_1 = arith.constant 0 : i32
    return %c0_i32, %c0_i32_0 : i32, i32
  }
  func.func @transform_7(%arg0: i32) -> (i32, i32) {
    %c0_i32 = arith.constant 0 : i32
    %c0_i32_0 = arith.constant 0 : i32
    %c0_i32_1 = arith.constant 0 : i32
    return %c0_i32, %c0_i32_0 : i32, i32
  }
  func.func @transform_8(%arg0: i32) -> (i32, i32) {
    %c0_i32 = arith.constant 0 : i32
    %c0_i32_0 = arith.constant 0 : i32
    %c0_i32_1 = arith.constant 0 : i32
    return %c0_i32, %c0_i32_0 : i32, i32
  }
  func.func @transform_9(%arg0: i32) -> (i32, i32) {
    %c0_i32 = arith.constant 0 : i32
    %c0_i32_0 = arith.constant 0 : i32
    return %arg0, %c0_i32 : i32, i32
  }
}

</mosaic_0001>

<sc_bundles>
// kernel: kernel.6.cloned.1.call-start
scs
__scs_entry_jumppad:
0x0: {  	(pc) =	sbr.rel $0x88, $3  }
0x1: {  	(tag) =	ssettag $0x0;
	lr =	simm.s32 $0x1  }
0x2: {  	[smem:$0x3F93] =	sst lr;
	_ =	strace $0xD0000000  }
0x3: {  	_ = 	snop  }
0x4: {  	_ = 	snop  }
0x5: {  	_ = 	snop  }
0x6: {  	_ = 	snop  }
0x7: {  	_ = 	snop  }
__scs_overlays_trampoline_lowered:
0x8: {  	[smem:$0x3FA2] =	sst s0  }
0x9: {  	[smem:$0x3FA3] =	sst s1  }
0xa: {  	[smem:$0x3FA4] =	sst s2  }
0xb: {  	[smem:$0x3FA5] =	sst s3  }
0xc: {  	[smem:$0x3FA6] =	sst s4  }
0xd: {  	[smem:$0x3FA7] =	sst s5  }
0xe: {  	[smem:$0x3FA8] =	sst s6  }
0xf: {  	[smem:$0x3FA9] =	sst s7  }
0x10: {  	[smem:$0x3FAA] =	sst s8  }
0x11: {  	[smem:$0x3FAB] =	sst s9;
	s0 =	simm.s32 @!p0 $0x0  }
0x12: {  	s1 =	sld [smem:$0x3F91];
	s0 =	simm.s32 @p0 $0x1  }
0x13: {  	[smem:$0x3FAC] =	sst s0;
	s0 =	simm.s32 @!p1 $0x0  }
0x14: {  	s2 =	sld [smem:$0x3F90];
	s0 =	simm.s32 @p1 $0x1  }
0x15: {  	[smem:$0x3FAD] =	sst s0;
	s0 =	simm.s32 @!p2 $0x0  }
0x16: {  	s3 =	sld [smem:$0x3FDB];
	s0 =	simm.s32 @p2 $0x1  }
0x17: {  	s4 =	simm.s32 $0x1BF5;
	[smem:$0x3FAF] =	sst s0  }
0x18: {  	s0 =	sld [smem:$0x3F92];
	_ =	swait.ge [sflag:s4], $0x0  }
0x19: {  	s7 =	sld [smem:$0x3F93]  }
0x1a: {  	s8 =	sadd.s32 $0xFFFFE003, lr  }
0x1b: {  	s9 =	sadd.s32 $0xFFFFFEF7, lr;
	s5 =	simm.s32 $0xFFFFFFFF;
	p2 =	slt.u32 s8, $0xFFFFF086  }
0x1c: {  	p1 =	slt.u32 s9, $0xF7A;
	s5 =	simm.s32 @!p2 $0x0  }
0x1d: {  	s5 =	simm.s32 @p1 $0x1;
	p0 =	seq.s32 s7, s2  }
0x1e: {  	s7 =	smul.u32 @!p0 $0xF7A, s2;
	p2 =	seq.s32 @!p0 s5, $0x0  }
0x1f: {  	s9 =	smul.u32 $0xF7A, s1;
	s8 =	simm.s32 @!p0 $0x1BF5;
	p2 =	por !p2, p0  }
0x20: {  	[sflag:s8] =	ssyncset.s32 @!p0 $0xFFFFF086;
	s6 =	sadd.s32 @!p0 s3, s7;
	s7 =	simm.s32 @!p0 $0x108  }
0x21: {  	s3 =	sadd.s32 s3, s9;
	s6 =	sadd.s32 @!p0 $0x88, s6;
	s7 =	simm.s32 @p2 $0x1082  }
0x22: {  	[simem:s7], [sflag:s8] =	dma.local @!p0 [hbm:s6], $0xF7A  }
0x23: {  	s9 =	sor.u32 $0xD0000000, s2;
	s6 =	simm.s32 $0x108;
	_ =	swait.ge @!p0 [sflag:s8], $0x0  }
0x24: {  	s3 =	sadd.s32 $0x88, s3;
	s6 =	simm.s32 @!p1 $0x1082;
	[sflag:s4] =	ssyncset.s32 $0xFFFFF086  }
0x25: {  	[simem:s6], [sflag:s4] =	dma.local [hbm:s3], $0xF7A  }
0x26: {  	[smem:$0x3F93] =	sst s1;
	(tag) =	ssettag s2;
	_ =	strace s9  }
0x27: {  	s1 =	sld [smem:$0x3FA3]  }
0x28: {  	s2 =	sld [smem:$0x3FA4]  }
0x29: {  	s4 =	sld [smem:$0x3FA6]  }
0x2a: {  	p0 =	seq.s32 s5, $0x0;
	s5 =	sld [smem:$0x3FA7]  }
0x2b: {  	s6 =	sld [smem:$0x3FA8]  }
0x2c: {  	s7 =	sld [smem:$0x3FA9]  }
0x2d: {  	s3 =	simm.s32 $0x108;
	s8 =	sld [smem:$0x3FAA]  }
0x2e: {  	s3 =	simm.s32 @!p0 $0x1082;
	s9 =	sld [smem:$0x3FAB]  }
0x2f: {  	lr =	sadd.s32 s0, s3;
	s0 =	sld [smem:$0x3FA2]  }
0x30: {  	s3 =	sld [smem:$0x3FA5]  }
0x31: {  	[smem:$0x3FAE] =	sst s10  }
0x32: {  	s10 =	sld [smem:$0x3FAC];
	_ =	sdelay $0x3  }
0x33: {  	p0 =	seq.s32 s10, $0x1;
	s10 =	sld [smem:$0x3FAE];
	_ =	sdelay $0x3  }
0x34: {  	[smem:$0x3FAE] =	sst s10  }
0x35: {  	s10 =	sld [smem:$0x3FAD];
	_ =	sdelay $0x3  }
0x36: {  	p1 =	seq.s32 s10, $0x1;
	s10 =	sld [smem:$0x3FAE];
	_ =	sdelay $0x3  }
0x37: {  	[smem:$0x3FAE] =	sst s10  }
0x38: {  	s10 =	sld [smem:$0x3FAF]  }
0x39: {  	_ = 	snop;
	(pc) =	sbr.ind lr, $3  }
0x3a: {  	_ = 	snop  }
0x3b: {  	_ = 	snop  }
0x3c: {  	p2 =	seq.s32 s10, $0x1;
	s10 =	sld [smem:$0x3FAE]  }
0x3d: {  	_ =	shalt  }
0x3e: {  	_ =	shalt  }
0x3f: {  	_ =	shalt  }
0x40: {  	_ =	shalt  }
0x41: {  	_ =	shalt  }
0x42: {  	_ =	shalt  }
0x43: {  	_ =	shalt  }
0x44: {  	_ =	shalt  }
0x45: {  	_ =	shalt  }
0x46: {  	_ =	shalt  }
0x47: {  	_ =	shalt  }
0x48: {  	_ =	shalt  }
0x49: {  	_ =	shalt  }
0x4a: {  	_ =	shalt  }
0x4b: {  	_ =	shalt  }
0x4c: {  	_ =	shalt  }
0x4d: {  	_ =	shalt  }
0x4e: {  	_ =	shalt  }
0x4f: {  	_ =	shalt  }
0x50: {  	_ =	shalt  }
0x51: {  	_ =	shalt  }
0x52: {  	_ =	shalt  }
0x53: {  	_ =	shalt  }
0x54: {  	_ =	shalt  }
0x55: {  	_ =	shalt  }
0x56: {  	_ =	shalt  }
0x57: {  	_ =	shalt  }
0x58: {  	_ =	shalt  }
0x59: {  	_ =	shalt  }
0x5a: {  	_ =	shalt  }
0x5b: {  	_ =	shalt  }
0x5c: {  	_ =	shalt  }
0x5d: {  	_ =	shalt  }
0x5e: {  	_ =	shalt  }
0x5f: {  	_ =	shalt  }
0x60: {  	_ =	shalt  }
0x61: {  	_ =	shalt  }
0x62: {  	_ =	shalt  }
0x63: {  	_ =	shalt  }
0x64: {  	_ =	shalt  }
0x65: {  	_ =	shalt  }
0x66: {  	_ =	shalt  }
0x67: {  	_ =	shalt  }
0x68: {  	_ =	shalt  }
0x69: {  	_ =	shalt  }
0x6a: {  	_ =	shalt  }
0x6b: {  	_ =	shalt  }
0x6c: {  	_ =	shalt  }
0x6d: {  	_ =	shalt  }
0x6e: {  	_ =	shalt  }
0x6f: {  	_ =	shalt  }
0x70: {  	_ =	shalt  }
0x71: {  	_ =	shalt  }
0x72: {  	_ =	shalt  }
0x73: {  	_ =	shalt  }
0x74: {  	_ =	shalt  }
0x75: {  	_ =	shalt  }
0x76: {  	_ =	shalt  }
0x77: {  	_ =	shalt  }
0x78: {  	_ =	shalt  }
0x79: {  	_ =	shalt  }
0x7a: {  	_ =	shalt  }
0x7b: {  	_ =	shalt  }
0x7c: {  	_ =	shalt  }
0x7d: {  	_ =	shalt  }
0x7e: {  	_ =	shalt  }
0x7f: {  	_ =	shalt  }
0x80: {  	_ =	shalt  }
0x81: {  	_ =	shalt  }
0x82: {  	_ =	shalt  }
0x83: {  	_ =	shalt  }
0x84: {  	_ =	shalt  }
0x85: {  	_ =	shalt  }
0x86: {  	_ =	shalt  }
0x87: {  	_ =	shalt  }
.Lfunc_end0:
.L_simem_size_0:
called_computation_lowered:
.L_overlay_start_0:
0x88: {  	s2 =	sld [smem:$0x3FD9]  }
0x89: {  	s3 =	sld [smem:$0x3FFE];
	_ =	sdelay $0x1  }
0x8a: {  	s1 =	srdreg.scid  }
0x8b: {  	s0 =	sand.u32 $0x1, s1  }
0x8c: {  	s17 =	sshll.u32 s0, $0xA;
	s2 =	sadd.s32 s3, s2  }
0x8d: {  	s2 =	sadd.s32 s2, s17  }
0x8e: {  	[smem:$0x3FBA] =	sst s2  }
0x8f: {  	_ = 	snop  }
0x90: {  	s2 =	sld [smem:$0x3FC9];
	(tm) =	ssettm $0x1  }
0x91: {  	s18 =	sld [smem:$0x3FFB];
	_ =	sdelay $0x3  }
0x92: {  	_ =	strace s18  }
0x93: {  	s3 =	sld [smem:$0x3FFC];
	_ =	sdelay $0x3  }
0x94: {  	_ =	strace s3  }
0x95: {  	s3 =	sld [smem:$0x3FFD];
	_ =	sdelay $0x3  }
0x96: {  	_ =	strace s3  }
0x97: {  	_ =	strace $0x8FFFFFFF  }
0x98: {  	s19 =	sld [smem:$0x3FDB];
	_ =	sdelay $0x1  }
0x99: {  	s4 =	simm.s32 $_scs_section_size  }
0x9a: {  	s5 =	simm.s32 $_size__tile_overlayer_lowered;
	s6 =	simm.s32 $_tile_overlayer_lowered  }
0x9b: {  	s22 =	simm.s32 $0x1BFF;
	s21 =	sshll.u32 s6, $0x1;
	s3 =	sadd.s32 s4, s19  }
0x9c: {  	s7 =	simm.s32 $0x0;
	s20 =	sshll.u32 s5, $0x1;
	s5 =	sadd.s32 s21, s3  }
0x9d: {  	[timem:s7], [sflag:s22] =	dma.local [hbm:s5], s20  }
0x9e: {  	_ =	swait.ge [sflag:s22], s20  }
0x9f: {  	s4 =	ssub.s32 $0x0, s20;
	[sflag:s22] =	ssyncset.done $0x0  }
0xa0: {  	[sflag:s22] =	ssyncadd.s32 s4;
	_ =	sdelay $0x1  }
0xa1: {  	s23 =	simm.s32 $0x1B8B  }
0xa2: {  	_ =	swait.ge [sflag:s23], $0x1  }
0xa3: {  	[sflag:s23] =	ssyncset.done $0x0  }
0xa4: {  	s25 =	simm.s32 $0x1B8E;
	s24 =	sld [smem:$0x3FFE];
	[sflag:s23] =	ssyncadd.s32 $0xFFFFFFFF  }
0xa5: {  	s26 =	simm.s32 $execute0_lowered;
	[smem:$0x3FD2] =	sst s25  }
0xa6: {  	s5 =	sshll.u32 s26, $0x1;
	_ =	strace $0x80000046;
	[dreg:$0x1] =	wrdreg $0xFFFFFFFF  }
0xa7: {  	s28 =	simm.s32 $_size_execute0_lowered;
	s3 =	sadd.s32 s3, s5;
	[dreg:$0x0] =	wrdreg $0x0  }
0xa8: {  	s5 =	sshll.u32 s28, $0x1;
	[dreg:$0x2] =	wrdreg s3  }
0xa9: {  	[dreg:$0x3] =	wrdreg s5  }
0xaa: {  	[dreg:$0x4] =	wrdreg $0xC0  }
0xab: {  	_ =	task [dreg:s7], $0x5FFFF  }
0xac: {  	[dreg:$0x1] =	wrdreg $0xFFFFFFFF  }
0xad: {  	[dreg:$0x0] =	wrdreg $0x60  }
0xae: {  	[dreg:$0x2] =	wrdreg s2  }
0xaf: {  	[dreg:$0x3] =	wrdreg s24  }
0xb0: {  	[dreg:$0x4] =	wrdreg $0xA8000  }
0xb1: {  	[dreg:$0x5] =	wrdreg $0x9  }
0xb2: {  	_ =	task.clear_ibuf [dreg:s7], $0x6FFFF;
	_ =	strace $0x90000046  }
0xb3: {  	s29 =	simm.s32 $0x9;
	_ =	strace $0x80000048  }
0xb4: {  	_ =	swait.ge [sflag:s29], $0x1  }
0xb5: {  	[sflag:s29] =	ssyncadd.s32 $0xFFFFFFFF  }
0xb6: {  	_ =	strace $0x90000048  }
0xb7: {  	_ =	sfence  }
0xb8: {  	s30 =	sld [smem:$0x0];
	_ =	sdelay $0x2  }
0xb9: {  	s31 =	sshll.u32 s1, $0xD;
	s1 =	sshrl.u32 s1, $0x2  }
0xba: {  	s3 =	sand.u32 $0x4000, s31;
	s1 =	sadd.s32 s1, s30  }
0xbb: {  	s0 =	sor.u32 s3, s0;
	s1 =	sshll.u32 s1, $0x11  }
0xbc: {  	s0 =	sor.u32 s1, s0  }
0xbd: {  	s0 =	sadd.s32 $0x8F2B, s0  }
0xbe: {  	[sflag:s0] =	ssyncadd.remote.s32 $0x1  }
0xbf: {  	_ =	sfence.sel $0xFFFF  }
0xc0: {  	[dreg:$0x0] =	wrdreg $0xFFFFFFFF;
	(pc) =	sbr.abs _section_cstart, $3  }
0xc1: {  	[dreg:$0x1] =	wrdreg $0xFFFFFFFF  }
0xc2: {  	_ =	task.clear_ibuf [dreg:s7], $0x2FFFF;
	_ =	strace $0x9FFFFFFF  }
0xc3: {  	(tm) =	ssettm $0x7FFFFFFF  }
tec
execute0_lowered:
.L_overlay_start_1:
0x0: {  	(tag) =	ssettag $0x1  }
0x1: {  	s1 =	rddreg [dreg:$0x0]  }
0x2: {  	s0 =	rddreg [dreg:$0x1];
	s2 =	srdreg.scid  }
0x3: {  	s16 =	stileid.u32;
	s3 =	rddreg [dreg:$0x2];
	s4 =	simm.s32 $0x0  }
0x4: {  	s19 =	simm.s32 $0x7D;
	s20 =	simm.s32 $0x2800;
	s21 =	simm.s32 $0x100  }
0x5: {  	s22 =	simm.s32 $0x6800;
	s23 =	simm.s32 $0x1;
	s24 =	simm.s32 $0x2  }
0x6: {  	s25 =	simm.s32 $0x3;
	s28 =	simm.s32 $0x2680;
	s29 =	simm.s32 $0x2780  }
0x7: {  	s30 =	simm.s32 $0x0;
	s2 =	sand.u32 $0x1, s2;
	s5 =	sshll.u32 s16, $0x1  }
0x8: {  	[smem:$0x7FF] =	sst s4;
	p0 =	slt.u32 s16, $0xE;
	s12 =	sadd.s32 $0x138000, s3  }
0x9: {  	s14 =	sadd.s32 $0x27000, s1;
	s26 =	sshll.u32 s16, $0xE;
	s13 =	sshll.u32 s16, $0xB  }
0xa: {  	p1 =	sne.s32 s16, $0xF;
	s5 =	sor.u32 s2, s5;
	_ =	strace $0x80000047  }
0xb: {  	s6 =	ssub.s32 $0x2, s2;
	s10 =	smul.u32 $0x138800, s2;
	p2 =	seq.s32 s2, $0x1  }
0xc: {  	[dreg:$0x4] =	wrdreg s12;
	s13 =	sadd.s32 s13, s1;
	s7 =	sshrl.u32 s6, $0x1  }
0xd: {  	s5 =	smul.u32 $0xA00, s5;
	p2 =	por !p2, p1;
	s9 =	ssub.s32 s6, s7  }
0xe: {  	s6 =	simm.s32 $0x5;
	s7 =	simm.s32 $0x5;
	s11 =	sshrl.u32 s10, $0x3  }
0xf: {  	s10 =	sadd.s32 s26, s10;
	s8 =	sadd.s32 s5, s0;
	s5 =	sadd.s32 $0x15E00, s0  }
0x10: {  	s0 =	sadd.s32 $0x16600, s0;
	s7 =	simm.s32 @!p0 $0x4;
	s9 =	smax.u32 s9, $0x1  }
0x11: {  	s10 =	sshrl.u32 s10, $0x3;
	p0 =	sne.s32 s2, $0x0;
	s11 =	sadd.s32 s0, s11  }
0x12: {  	[dreg:$0x6] =	wrdreg s9;
	s31 =	sadd.s32 $0x1E00, s8;
	s12 =	sadd.s32 $0x2300, s8  }
0x13: {  	s8 =	sadd.s32 s26, s3;
	s15 =	sadd.s32 s10, s0;
	s0 =	sshll.u32 @p0 s16, $0x6  }
0x14: {  	s2 =	sshll.u32 @!p0 s16, $0x6;
	s18 =	smov.u32 s5;
	s26 =	simm.s32 $0x4  }
0x15: {  	s11 =	sadd.s32 $0x27000, s11;
	[dreg:$0x7] =	wrdreg s31;
	s16 =	sor.u32 @p0 $0x1C05, s0  }
0x16: {  	s17 =	sor.u32 @!p0 $0x1C06, s2;
	s18 =	smov.u32 @p2 s14;
	[dreg:$0x5] =	wrdreg s11  }
.LBB2_1:
0x17: {  	s31 =	sadd.s32 $0xFFFFFFFF, s7  }
0x18: {  	p3 =	sne.s32 s31, $0x0  }
.Ltmp0:
0x19: {  	_ = 	snop;
	(pc) =	sbr.rel @!p3 .LBB2_4-.Ltmp0, $2  }
0x1a: {  	_ =	sdelay $0x2  }
0x1b: {  	p2 =	por $0x0, $0x0;
	s14 =	smov.u32 s8;
	s2 =	smov.u32 s13  }
0x1c: {  	s0 =	sshrl.u32 @p0 s8, $0x3;
	s9 =	simm.s32 @p0 $0x5;
	s10 =	sadd.s32 $0xFFFFFFFF, s31  }
0x1d: {  	[spmem:s0], [sflag:s16] =	dma.local @p0 [hbm:s5], $0x800  }
0x1e: {  	p3 =	sne.s32 s10, $0x0;
	_ =	swait.ge @p0 [sflag:s9], $0x800  }
.Ltmp1:
0x1f: {  	[sflag:s9] =	ssyncset.done @p0 $0x0;
	(pc) =	sbr.rel @!p3 .LBB2_4-.Ltmp1, $4  }
0x20: {  	s2 =	sshrl.u32 @!p0 s8, $0x3;
	s0 =	simm.s32 @!p0 $0x6;
	[sflag:s9] =	ssyncadd.s32 @p0 $0xFFFFF800  }
0x21: {  	[spmem:s2], [sflag:s17] =	dma.local @!p0 [hbm:s13], $0x800  }
0x22: {  	s14 =	sadd.s32 $0x40000, s8;
	_ =	swait.ge @!p0 [sflag:s0], $0x800  }
0x23: {  	p2 =	por $0x1, $0x1;
	s2 =	sadd.s32 $0x8000, s13;
	[sflag:s0] =	ssyncset.done @!p0 $0x0  }
.LBB2_3:
0x24: {  	s11 =	sshrl.u32 @p0 s14, $0x3;
	[sflag:s0] =	ssyncadd.s32 @!p0 $0xFFFFF800;
	s10 =	sadd.s32 $0xFFFFFFFF, s10  }
0x25: {  	[spmem:s11], [sflag:s16] =	dma.local @p0 [hbm:s5], $0x800  }
0x26: {  	p3 =	sne.s32 s10, $0x0;
	_ =	swait.ge @p0 [sflag:s9], $0x800  }
.Ltmp2:
0x27: {  	[sflag:s9] =	ssyncset.done @p0 $0x0;
	(pc) =	sbr.rel @p3 .LBB2_3-.Ltmp2, $4  }
0x28: {  	s11 =	sshrl.u32 @!p0 s14, $0x3;
	[sflag:s9] =	ssyncadd.s32 @p0 $0xFFFFF800  }
0x29: {  	[spmem:s11], [sflag:s17] =	dma.local @!p0 [hbm:s2], $0x800  }
0x2a: {  	_ =	swait.ge @!p0 [sflag:s0], $0x800  }
0x2b: {  	s14 =	sadd.s32 $0x40000, s14;
	s2 =	sadd.s32 $0x8000, s2;
	[sflag:s0] =	ssyncset.done @!p0 $0x0  }
.LBB2_4:
0x2c: {  	p2 =	por p0, !p2  }
0x2d: {  	s9 =	sshrl.u32 @p0 s14, $0x3;
	s10 =	simm.s32 @p0 $0x5;
	[sflag:s0] =	ssyncadd.s32 @!p2 $0xFFFFF800  }
0x2e: {  	[spmem:s9], [sflag:s16] =	dma.local @p0 [hbm:s5], $0x800  }
0x2f: {  	_ =	swait.ge @p0 [sflag:s10], $0x800  }
0x30: {  	[sflag:s10] =	ssyncset.done @p0 $0x0  }
0x31: {  	s0 =	sshrl.u32 @!p0 s14, $0x3;
	s9 =	simm.s32 @!p0 $0x6;
	[sflag:s10] =	ssyncadd.s32 @p0 $0xFFFFF800  }
0x32: {  	[spmem:s0], [sflag:s17] =	dma.local @!p0 [hbm:s2], $0x800  }
0x33: {  	_ =	swait.ge @!p0 [sflag:s9], $0x800  }
0x34: {  	[sflag:s9] =	ssyncset.done @!p0 $0x0;
	s0 =	rddreg [dreg:$0x4]  }
0x35: {  	[sflag:s9] =	ssyncadd.s32 @!p0 $0xFFFFF800;
	s2 =	sshrl.u32 @!p1 s0, $0x3;
	s0 =	simm.s32 @!p1 $0x1FC5  }
0x36: {  	[spmem:s2], [sflag:s0] =	dma.local @!p1 [hbm:s18], $0x100  }
0x37: {  	s0 =	simm.s32 @!p1 $0x5  }
0x38: {  	_ =	swait.ge @!p1 [sflag:s0], $0x100  }
0x39: {  	[sflag:s0] =	ssyncset.done @!p1 $0x0  }
0x3a: {  	[sflag:s0] =	ssyncadd.s32 @!p1 $0xFFFFFF00  }
0x3b: {  	[bflag:$0x0] =	sbarrier.arrive $0xFFFF  }
0x3c: {  	s9 =	rddreg [dreg:$0x7]  }
0x3d: {  	[tilespmem:s4], [sflag:$0x5] =	stream.linear.gather [hbm4b:s9+s4], $0x2800, $0x38;
	[tilespmem:$0x1E080] =	vst v63  }
0x3e: {  	_ =	swait.ge [sflag:s6], $0x2800  }
0x3f: {  	[sflag:s6] =	ssyncset.done $0x0  }
0x40: {  	[sflag:s6] =	ssyncadd.s32 $0xFFFFD800  }
0x41: {  	[tilespmem:s20], [sflag:$0x1] =	stream.indirect.gather [hbm4b:s1+s19], $0x80, s4, s19, $0xb8;
	[tilespmem:$0x1E080] =	vst v63  }
0x42: {  	_ = 	snop  }
0x43: {  	[tilespmem:s22], [sflag:$0x2] =	stream.indirect.gather [hbm4b:s1+s19], $0x80, s21, s19, $0xb8;
	[tilespmem:$0x1E080] =	vst v63  }
0x44: {  	_ =	swait.ge [sflag:s23], $0x3E80  }
0x45: {  	[sflag:s23] =	ssyncset.done $0x0  }
0x46: {  	s10 =	simm.s32 $0x80;
	[sflag:s23] =	ssyncadd.s32 $0xFFFFC180  }
0x47: {  	[spmem:s3] =	stream.indirect.scatter.add.f32 [tilespmem:s20], [sflag:$0x3], $0x80, s10, s19, $0xb8;
	[tilespmem:$0x1E080] =	vst v63  }
0x48: {  	_ =	swait.ge [sflag:s24], $0x3E80  }
0x49: {  	[sflag:s24] =	ssyncset.done $0x0  }
0x4a: {  	s11 =	simm.s32 $0x180;
	[sflag:s24] =	ssyncadd.s32 $0xFFFFC180  }
0x4b: {  	[spmem:s3] =	stream.indirect.scatter.add.f32 [tilespmem:s22], [sflag:$0x4], $0x80, s11, s19, $0xb8;
	[tilespmem:$0x1E080] =	vst v63  }
0x4c: {  	_ =	swait.ge [sflag:s25], $0x3E80  }
0x4d: {  	[sflag:s25] =	ssyncset.done $0x0  }
0x4e: {  	s14 =	simm.s32 $0x200;
	[sflag:s25] =	ssyncadd.s32 $0xFFFFC180  }
0x4f: {  	[tilespmem:s20], [sflag:$0x1] =	stream.indirect.gather [hbm4b:s1+s19], $0x80, s14, s19, $0xb8;
	[tilespmem:$0x1E080] =	vst v63  }
0x50: {  	_ =	swait.ge [sflag:s26], $0x3E80  }
0x51: {  	[sflag:s26] =	ssyncset.done $0x0  }
0x52: {  	s0 =	simm.s32 $0xFFFF7000;
	s9 =	simm.s32 $0x300;
	[sflag:s26] =	ssyncadd.s32 $0xFFFFC180  }
.LBB2_5:
0x53: {  	[tilespmem:s22], [sflag:$0x2] =	stream.indirect.gather [hbm4b:s1+s19], $0x80, s9, s19, $0xb8;
	[tilespmem:$0x1E080] =	vst v63  }
0x54: {  	s9 =	smov.u32 s0  }
0x55: {  	p2 =	sne.s32 s0, $0xFFFFF800;
	s0 =	sadd.s32 $0x800, s0;
	_ =	swait.ge [sflag:s23], $0x3E80  }
0x56: {  	s9 =	sshra.s32 s9, $0x2;
	[sflag:s23] =	ssyncset.done $0x0  }
0x57: {  	s10 =	sadd.s32 $0x2680, s9;
	[sflag:s23] =	ssyncadd.s32 $0xFFFFC180  }
0x58: {  	[spmem:s3] =	stream.indirect.scatter.add.f32 [tilespmem:s20], [sflag:$0x3], $0x80, s10, s19, $0xb8;
	[tilespmem:$0x1E080] =	vst v63  }
0x59: {  	_ =	swait.ge [sflag:s24], $0x3E80  }
0x5a: {  	[sflag:s24] =	ssyncset.done $0x0  }
0x5b: {  	s10 =	sadd.s32 $0x2780, s9;
	[sflag:s24] =	ssyncadd.s32 $0xFFFFC180  }
0x5c: {  	[spmem:s3] =	stream.indirect.scatter.add.f32 [tilespmem:s22], [sflag:$0x4], $0x80, s10, s19, $0xb8;
	[tilespmem:$0x1E080] =	vst v63  }
0x5d: {  	_ =	swait.ge [sflag:s25], $0x3E80  }
0x5e: {  	[sflag:s25] =	ssyncset.done $0x0  }
.Ltmp3:
0x5f: {  	s10 =	sadd.s32 $0x2800, s9;
	[sflag:s25] =	ssyncadd.s32 $0xFFFFC180;
	(pc) =	sbr.rel @p2 .LBB2_5-.Ltmp3, $4  }
0x60: {  	[tilespmem:s20], [sflag:$0x1] =	stream.indirect.gather [hbm4b:s1+s19], $0x80, s10, s19, $0xb8;
	[tilespmem:$0x1E080] =	vst v63  }
0x61: {  	_ =	swait.ge [sflag:s26], $0x3E80  }
0x62: {  	[sflag:s26] =	ssyncset.done $0x0  }
0x63: {  	s9 =	sadd.s32 $0x2900, s9;
	[sflag:s26] =	ssyncadd.s32 $0xFFFFC180  }
0x64: {  	[tilespmem:s22], [sflag:$0x2] =	stream.indirect.gather [hbm4b:s1+s19], $0x80, s9, s19, $0xb8;
	[tilespmem:$0x1E080] =	vst v63  }
0x65: {  	_ =	swait.ge [sflag:s23], $0x3E80  }
0x66: {  	[sflag:s23] =	ssyncset.done $0x0  }
0x67: {  	[sflag:s23] =	ssyncadd.s32 $0xFFFFC180  }
0x68: {  	[spmem:s3] =	stream.indirect.scatter.add.f32 [tilespmem:s20], [sflag:$0x3], $0x80, s28, s19, $0xb8;
	[tilespmem:$0x1E080] =	vst v63  }
0x69: {  	_ =	swait.ge [sflag:s24], $0x3E80  }
0x6a: {  	[sflag:s24] =	ssyncset.done $0x0  }
0x6b: {  	[sflag:s24] =	ssyncadd.s32 $0xFFFFC180  }
0x6c: {  	[spmem:s3] =	stream.indirect.scatter.add.f32 [tilespmem:s22], [sflag:$0x4], $0x80, s29, s19, $0xb8;
	[tilespmem:$0x1E080] =	vst v63  }
0x6d: {  	_ =	swait.ge [sflag:s25], $0x3E80  }
0x6e: {  	[sflag:s25] =	ssyncset.done $0x0  }
0x6f: {  	[sflag:s25] =	ssyncadd.s32 $0xFFFFC180  }
0x70: {  	_ =	swait.ge [sflag:s26], $0x3E80  }
0x71: {  	[sflag:s26] =	ssyncset.done $0x0  }
0x72: {  	[sflag:s26] =	ssyncadd.s32 $0xFFFFC180  }
0x73: {  	[tilespmem:s4], [sflag:$0x5] =	stream.linear.gather [hbm4b:s12+s4], $0x2800, $0x38;
	[tilespmem:$0x1E080] =	vst v63  }
0x74: {  	_ =	swait.ge [sflag:s6], $0x2800  }
0x75: {  	[sflag:s6] =	ssyncset.done $0x0  }
0x76: {  	[sflag:s6] =	ssyncadd.s32 $0xFFFFD800  }
0x77: {  	[tilespmem:s20], [sflag:$0x1] =	stream.indirect.gather [hbm4b:s1+s19], $0x80, s4, s19, $0xb8;
	[tilespmem:$0x1E080] =	vst v63  }
0x78: {  	_ = 	snop  }
0x79: {  	[tilespmem:s22], [sflag:$0x2] =	stream.indirect.gather [hbm4b:s1+s19], $0x80, s21, s19, $0xb8;
	[tilespmem:$0x1E080] =	vst v63  }
0x7a: {  	_ =	swait.ge [sflag:s23], $0x3E80  }
0x7b: {  	[sflag:s23] =	ssyncset.done $0x0  }
0x7c: {  	s0 =	simm.s32 $0x80;
	[sflag:s23] =	ssyncadd.s32 $0xFFFFC180  }
0x7d: {  	[spmem:s3] =	stream.indirect.scatter.add.f32 [tilespmem:s20], [sflag:$0x3], $0x80, s0, s19, $0xb8;
	[tilespmem:$0x1E080] =	vst v63  }
0x7e: {  	_ =	swait.ge [sflag:s24], $0x3E80  }
0x7f: {  	[sflag:s24] =	ssyncset.done $0x0  }
0x80: {  	s11 =	simm.s32 $0x180;
	[sflag:s24] =	ssyncadd.s32 $0xFFFFC180  }
0x81: {  	[spmem:s3] =	stream.indirect.scatter.add.f32 [tilespmem:s22], [sflag:$0x4], $0x80, s11, s19, $0xb8;
	[tilespmem:$0x1E080] =	vst v63  }
0x82: {  	_ =	swait.ge [sflag:s25], $0x3E80  }
0x83: {  	[sflag:s25] =	ssyncset.done $0x0  }
0x84: {  	s14 =	simm.s32 $0x200;
	[sflag:s25] =	ssyncadd.s32 $0xFFFFC180  }
0x85: {  	[tilespmem:s20], [sflag:$0x1] =	stream.indirect.gather [hbm4b:s1+s19], $0x80, s14, s19, $0xb8;
	[tilespmem:$0x1E080] =	vst v63  }
0x86: {  	_ =	swait.ge [sflag:s26], $0x3E80  }
0x87: {  	[sflag:s26] =	ssyncset.done $0x0  }
0x88: {  	s9 =	simm.s32 $0x300;
	s0 =	simm.s32 $0xFFFF7000;
	[sflag:s26] =	ssyncadd.s32 $0xFFFFC180  }
.LBB2_7:
0x89: {  	[tilespmem:s22], [sflag:$0x2] =	stream.indirect.gather [hbm4b:s1+s19], $0x80, s9, s19, $0xb8;
	[tilespmem:$0x1E080] =	vst v63  }
0x8a: {  	s9 =	smov.u32 s0  }
0x8b: {  	p2 =	sne.s32 s0, $0xFFFFF800;
	s0 =	sadd.s32 $0x800, s0;
	_ =	swait.ge [sflag:s23], $0x3E80  }
0x8c: {  	s9 =	sshra.s32 s9, $0x2;
	[sflag:s23] =	ssyncset.done $0x0  }
0x8d: {  	s10 =	sadd.s32 $0x2680, s9;
	[sflag:s23] =	ssyncadd.s32 $0xFFFFC180  }
0x8e: {  	[spmem:s3] =	stream.indirect.scatter.add.f32 [tilespmem:s20], [sflag:$0x3], $0x80, s10, s19, $0xb8;
	[tilespmem:$0x1E080] =	vst v63  }
0x8f: {  	_ =	swait.ge [sflag:s24], $0x3E80  }
0x90: {  	[sflag:s24] =	ssyncset.done $0x0  }
0x91: {  	s10 =	sadd.s32 $0x2780, s9;
	[sflag:s24] =	ssyncadd.s32 $0xFFFFC180  }
0x92: {  	[spmem:s3] =	stream.indirect.scatter.add.f32 [tilespmem:s22], [sflag:$0x4], $0x80, s10, s19, $0xb8;
	[tilespmem:$0x1E080] =	vst v63  }
0x93: {  	_ =	swait.ge [sflag:s25], $0x3E80  }
0x94: {  	[sflag:s25] =	ssyncset.done $0x0  }
.Ltmp4:
0x95: {  	s10 =	sadd.s32 $0x2800, s9;
	[sflag:s25] =	ssyncadd.s32 $0xFFFFC180;
	(pc) =	sbr.rel @p2 .LBB2_7-.Ltmp4, $4  }
0x96: {  	[tilespmem:s20], [sflag:$0x1] =	stream.indirect.gather [hbm4b:s1+s19], $0x80, s10, s19, $0xb8;
	[tilespmem:$0x1E080] =	vst v63  }
0x97: {  	_ =	swait.ge [sflag:s26], $0x3E80  }
0x98: {  	[sflag:s26] =	ssyncset.done $0x0  }
0x99: {  	s9 =	sadd.s32 $0x2900, s9;
	[sflag:s26] =	ssyncadd.s32 $0xFFFFC180  }
0x9a: {  	[tilespmem:s22], [sflag:$0x2] =	stream.indirect.gather [hbm4b:s1+s19], $0x80, s9, s19, $0xb8;
	[tilespmem:$0x1E080] =	vst v63  }
0x9b: {  	_ =	swait.ge [sflag:s23], $0x3E80  }
0x9c: {  	[sflag:s23] =	ssyncset.done $0x0  }
0x9d: {  	[sflag:s23] =	ssyncadd.s32 $0xFFFFC180  }
0x9e: {  	[spmem:s3] =	stream.indirect.scatter.add.f32 [tilespmem:s20], [sflag:$0x3], $0x80, s28, s19, $0xb8;
	[tilespmem:$0x1E080] =	vst v63  }
0x9f: {  	_ =	swait.ge [sflag:s24], $0x3E80  }
0xa0: {  	[sflag:s24] =	ssyncset.done $0x0  }
0xa1: {  	[sflag:s24] =	ssyncadd.s32 $0xFFFFC180  }
0xa2: {  	[spmem:s3] =	stream.indirect.scatter.add.f32 [tilespmem:s22], [sflag:$0x4], $0x80, s29, s19, $0xb8;
	[tilespmem:$0x1E080] =	vst v63  }
0xa3: {  	_ =	swait.ge [sflag:s25], $0x3E80  }
0xa4: {  	[sflag:s25] =	ssyncset.done $0x0  }
0xa5: {  	[sflag:s25] =	ssyncadd.s32 $0xFFFFC180  }
0xa6: {  	p2 =	sne.s32 s7, $0x1;
	_ =	swait.ge [sflag:s26], $0x3E80  }
.Ltmp5:
0xa7: {  	s0 =	stileid.u32;
	[sflag:s26] =	ssyncset.done $0x0;
	(pc) =	sbr.rel @!p2 .LBB2_10-.Ltmp5, $4  }
0xa8: {  	s0 =	sshll.u32 s0, $0x6;
	[sflag:s26] =	ssyncadd.s32 $0xFFFFC180  }
0xa9: {  	s14 =	sshrl.u32 s8, $0x3;
	s0 =	sor.u32 $0x1C05, s0;
	[bflag:$0x0] =	sbarrier.arrive $0xFFFF  }
0xaa: {  	[hbm:s15], [sflag:s0] =	dma.local [spmem:s14], $0x800  }
0xab: {  	s9 =	sadd.s32 $0x8000, s15;
	s10 =	smov.u32 s8;
	_ =	swait.ge [sflag:s6], $0x800  }
.LBB2_9:
0xac: {  	[sflag:s6] =	ssyncset.done $0x0;
	s10 =	sadd.s32 $0x40000, s10;
	p2 =	sne.s32 s31, $0x1  }
.Ltmp6:
0xad: {  	s11 =	sshrl.u32 s10, $0x3;
	[sflag:s6] =	ssyncadd.s32 $0xFFFFF800;
	(pc) =	sbr.rel @p2 .LBB2_9-.Ltmp6, $3  }
0xae: {  	[hbm:s9], [sflag:s0] =	dma.local [spmem:s11], $0x800  }
0xaf: {  	s31 =	sadd.s32 $0xFFFFFFFF, s31;
	_ =	sdelay $0x1  }
0xb0: {  	s9 =	sadd.s32 $0x8000, s9;
	_ =	swait.ge [sflag:s6], $0x800  }
.LBB2_10:
0xb1: {  	[sflag:s6] =	ssyncset.done $0x0  }
0xb2: {  	s0 =	simm.s32 @!p1 $0x1FC5;
	s9 =	rddreg [dreg:$0x5];
	[sflag:s6] =	ssyncadd.s32 $0xFFFFF800  }
0xb3: {  	[hbm:s9], [sflag:s0] =	dma.local @!p1 [spmem:s2], $0x100  }
0xb4: {  	s0 =	simm.s32 @!p1 $0x5  }
0xb5: {  	_ =	swait.ge @!p1 [sflag:s0], $0x100  }
0xb6: {  	s30 =	sadd.s32 $0x1, s30;
	s31 =	rddreg [dreg:$0x6]  }
0xb7: {  	p2 =	sne.s32 s30, s31  }
.Ltmp7:
0xb8: {  	_ = 	snop;
	(pc) =	sbr.rel @p2 .LBB2_1-.Ltmp7, $3  }
0xb9: {  	_ =	sdelay $0x1  }
0xba: {  	[sflag:s0] =	ssyncset.done @!p1 $0x0  }
0xbb: {  	[sflag:s0] =	ssyncadd.s32 @!p1 $0xFFFFFF00  }
0xbc: {  	_ =	sfence.sel $0x180000  }
0xbd: {  	[bflag:$0x0] =	sbarrier.arrive $0xFFFF  }
0xbe: {  	_ =	strace $0x90000047  }
0xbf: {  	s0 =	stileid.u32;
	[bflag:$0x2] =	sbarrier.arrive $0xFFFF  }
0xc0: {  	p0 =	sne.s32 s0, $0x0;
	s0 =	rddreg [dreg:$0x3]  }
0xc1: {  	s0 =	sadd.s32 @!p0 $0x100000, s0  }
0xc2: {  	[sflag:s0] =	ssyncadd.tile.s32 @!p0 $0x1;
	_ =	shalt  }
.Lfunc_end2:
_tile_overlayer_lowered:
.L_overlay_start_2:
0xc3: {  	(tag) =	ssettag $0x2  }
0xc4: {  	s0 =	rddreg [dreg:$0x0];
	s2 =	stileid.u32  }
0xc5: {  	s1 =	rddreg [dreg:$0x1];
	p0 =	sne.s32 s2, $0x0  }
0xc6: {  	s3 =	rddreg [dreg:$0x2];
	[bflag:$0x3] =	sbarrier.arrive $0xFFFF;
	s2 =	simm.s32 @!p0 $0x1C05  }
0xc7: {  	[timem:s3], [sflag:s2] =	dma.local @!p0 [hbm:s0], s1  }
0xc8: {  	s0 =	simm.s32 @!p0 $0x5  }
0xc9: {  	_ =	swait.ge @!p0 [sflag:s0], s1  }
0xca: {  	s1 =	ssub.s32 @!p0 $0x0, s1;
	[sflag:s0] =	ssyncset.done @!p0 $0x0  }
0xcb: {  	[sflag:s0] =	ssyncadd.s32 @!p0 s1  }
0xcc: {  	[bflag:$0x3] =	sbarrier.arrive $0xFFFF  }
0xcd: {  	_ =	shalt  }

// kernel: kernel.9.cloned.1.call-start
scs
__scs_entry_jumppad:
0x0: {  	(pc) =	sbr.rel $0x88, $3  }
0x1: {  	(tag) =	ssettag $0x0;
	lr =	simm.s32 $0x1  }
0x2: {  	[smem:$0x3F93] =	sst lr;
	_ =	strace $0xD0000000  }
0x3: {  	_ = 	snop  }
0x4: {  	_ = 	snop  }
0x5: {  	_ = 	snop  }
0x6: {  	_ = 	snop  }
0x7: {  	_ = 	snop  }
__scs_overlays_trampoline_lowered:
0x8: {  	[smem:$0x3FA2] =	sst s0  }
0x9: {  	[smem:$0x3FA3] =	sst s1  }
0xa: {  	[smem:$0x3FA4] =	sst s2  }
0xb: {  	[smem:$0x3FA5] =	sst s3  }
0xc: {  	[smem:$0x3FA6] =	sst s4  }
0xd: {  	[smem:$0x3FA7] =	sst s5  }
0xe: {  	[smem:$0x3FA8] =	sst s6  }
0xf: {  	[smem:$0x3FA9] =	sst s7  }
0x10: {  	[smem:$0x3FAA] =	sst s8  }
0x11: {  	[smem:$0x3FAB] =	sst s9;
	s0 =	simm.s32 @!p0 $0x0  }
0x12: {  	s1 =	sld [smem:$0x3F91];
	s0 =	simm.s32 @p0 $0x1  }
0x13: {  	[smem:$0x3FAC] =	sst s0;
	s0 =	simm.s32 @!p1 $0x0  }
0x14: {  	s2 =	sld [smem:$0x3F90];
	s0 =	simm.s32 @p1 $0x1  }
0x15: {  	[smem:$0x3FAD] =	sst s0;
	s0 =	simm.s32 @!p2 $0x0  }
0x16: {  	s3 =	sld [smem:$0x3FDB];
	s0 =	simm.s32 @p2 $0x1  }
0x17: {  	s4 =	simm.s32 $0x1BF5;
	[smem:$0x3FAF] =	sst s0  }
0x18: {  	s0 =	sld [smem:$0x3F92];
	_ =	swait.ge [sflag:s4], $0x0  }
0x19: {  	s7 =	sld [smem:$0x3F93]  }
0x1a: {  	s8 =	sadd.s32 $0xFFFFE003, lr  }
0x1b: {  	s9 =	sadd.s32 $0xFFFFFEF7, lr;
	s5 =	simm.s32 $0xFFFFFFFF;
	p2 =	slt.u32 s8, $0xFFFFF086  }
0x1c: {  	p1 =	slt.u32 s9, $0xF7A;
	s5 =	simm.s32 @!p2 $0x0  }
0x1d: {  	s5 =	simm.s32 @p1 $0x1;
	p0 =	seq.s32 s7, s2  }
0x1e: {  	s7 =	smul.u32 @!p0 $0xF7A, s2;
	p2 =	seq.s32 @!p0 s5, $0x0  }
0x1f: {  	s9 =	smul.u32 $0xF7A, s1;
	s8 =	simm.s32 @!p0 $0x1BF5;
	p2 =	por !p2, p0  }
0x20: {  	[sflag:s8] =	ssyncset.s32 @!p0 $0xFFFFF086;
	s6 =	sadd.s32 @!p0 s3, s7;
	s7 =	simm.s32 @!p0 $0x108  }
0x21: {  	s3 =	sadd.s32 s3, s9;
	s6 =	sadd.s32 @!p0 $0x88, s6;
	s7 =	simm.s32 @p2 $0x1082  }
0x22: {  	[simem:s7], [sflag:s8] =	dma.local @!p0 [hbm:s6], $0xF7A  }
0x23: {  	s9 =	sor.u32 $0xD0000000, s2;
	s6 =	simm.s32 $0x108;
	_ =	swait.ge @!p0 [sflag:s8], $0x0  }
0x24: {  	s3 =	sadd.s32 $0x88, s3;
	s6 =	simm.s32 @!p1 $0x1082;
	[sflag:s4] =	ssyncset.s32 $0xFFFFF086  }
0x25: {  	[simem:s6], [sflag:s4] =	dma.local [hbm:s3], $0xF7A  }
0x26: {  	[smem:$0x3F93] =	sst s1;
	(tag) =	ssettag s2;
	_ =	strace s9  }
0x27: {  	s1 =	sld [smem:$0x3FA3]  }
0x28: {  	s2 =	sld [smem:$0x3FA4]  }
0x29: {  	s4 =	sld [smem:$0x3FA6]  }
0x2a: {  	p0 =	seq.s32 s5, $0x0;
	s5 =	sld [smem:$0x3FA7]  }
0x2b: {  	s6 =	sld [smem:$0x3FA8]  }
0x2c: {  	s7 =	sld [smem:$0x3FA9]  }
0x2d: {  	s3 =	simm.s32 $0x108;
	s8 =	sld [smem:$0x3FAA]  }
0x2e: {  	s3 =	simm.s32 @!p0 $0x1082;
	s9 =	sld [smem:$0x3FAB]  }
0x2f: {  	lr =	sadd.s32 s0, s3;
	s0 =	sld [smem:$0x3FA2]  }
0x30: {  	s3 =	sld [smem:$0x3FA5]  }
0x31: {  	[smem:$0x3FAE] =	sst s10  }
0x32: {  	s10 =	sld [smem:$0x3FAC];
	_ =	sdelay $0x3  }
0x33: {  	p0 =	seq.s32 s10, $0x1;
	s10 =	sld [smem:$0x3FAE];
	_ =	sdelay $0x3  }
0x34: {  	[smem:$0x3FAE] =	sst s10  }
0x35: {  	s10 =	sld [smem:$0x3FAD];
	_ =	sdelay $0x3  }
0x36: {  	p1 =	seq.s32 s10, $0x1;
	s10 =	sld [smem:$0x3FAE];
	_ =	sdelay $0x3  }
0x37: {  	[smem:$0x3FAE] =	sst s10  }
0x38: {  	s10 =	sld [smem:$0x3FAF]  }
0x39: {  	_ = 	snop;
	(pc) =	sbr.ind lr, $3  }
0x3a: {  	_ = 	snop  }
0x3b: {  	_ = 	snop  }
0x3c: {  	p2 =	seq.s32 s10, $0x1;
	s10 =	sld [smem:$0x3FAE]  }
0x3d: {  	_ =	shalt  }
0x3e: {  	_ =	shalt  }
0x3f: {  	_ =	shalt  }
0x40: {  	_ =	shalt  }
0x41: {  	_ =	shalt  }
0x42: {  	_ =	shalt  }
0x43: {  	_ =	shalt  }
0x44: {  	_ =	shalt  }
0x45: {  	_ =	shalt  }
0x46: {  	_ =	shalt  }
0x47: {  	_ =	shalt  }
0x48: {  	_ =	shalt  }
0x49: {  	_ =	shalt  }
0x4a: {  	_ =	shalt  }
0x4b: {  	_ =	shalt  }
0x4c: {  	_ =	shalt  }
0x4d: {  	_ =	shalt  }
0x4e: {  	_ =	shalt  }
0x4f: {  	_ =	shalt  }
0x50: {  	_ =	shalt  }
0x51: {  	_ =	shalt  }
0x52: {  	_ =	shalt  }
0x53: {  	_ =	shalt  }
0x54: {  	_ =	shalt  }
0x55: {  	_ =	shalt  }
0x56: {  	_ =	shalt  }
0x57: {  	_ =	shalt  }
0x58: {  	_ =	shalt  }
0x59: {  	_ =	shalt  }
0x5a: {  	_ =	shalt  }
0x5b: {  	_ =	shalt  }
0x5c: {  	_ =	shalt  }
0x5d: {  	_ =	shalt  }
0x5e: {  	_ =	shalt  }
0x5f: {  	_ =	shalt  }
0x60: {  	_ =	shalt  }
0x61: {  	_ =	shalt  }
0x62: {  	_ =	shalt  }
0x63: {  	_ =	shalt  }
0x64: {  	_ =	shalt  }
0x65: {  	_ =	shalt  }
0x66: {  	_ =	shalt  }
0x67: {  	_ =	shalt  }
0x68: {  	_ =	shalt  }
0x69: {  	_ =	shalt  }
0x6a: {  	_ =	shalt  }
0x6b: {  	_ =	shalt  }
0x6c: {  	_ =	shalt  }
0x6d: {  	_ =	shalt  }
0x6e: {  	_ =	shalt  }
0x6f: {  	_ =	shalt  }
0x70: {  	_ =	shalt  }
0x71: {  	_ =	shalt  }
0x72: {  	_ =	shalt  }
0x73: {  	_ =	shalt  }
0x74: {  	_ =	shalt  }
0x75: {  	_ =	shalt  }
0x76: {  	_ =	shalt  }
0x77: {  	_ =	shalt  }
0x78: {  	_ =	shalt  }
0x79: {  	_ =	shalt  }
0x7a: {  	_ =	shalt  }
0x7b: {  	_ =	shalt  }
0x7c: {  	_ =	shalt  }
0x7d: {  	_ =	shalt  }
0x7e: {  	_ =	shalt  }
0x7f: {  	_ =	shalt  }
0x80: {  	_ =	shalt  }
0x81: {  	_ =	shalt  }
0x82: {  	_ =	shalt  }
0x83: {  	_ =	shalt  }
0x84: {  	_ =	shalt  }
0x85: {  	_ =	shalt  }
0x86: {  	_ =	shalt  }
0x87: {  	_ =	shalt  }
.Lfunc_end0:
.L_simem_size_0:
called_computation.1_lowered:
.L_overlay_start_0:
0x88: {  	s2 =	sld [smem:$0x3FD9]  }
0x89: {  	s3 =	sld [smem:$0x3FFE];
	_ =	sdelay $0x1  }
0x8a: {  	s1 =	srdreg.scid  }
0x8b: {  	s0 =	sand.u32 $0x1, s1  }
0x8c: {  	s17 =	sshll.u32 s0, $0xA;
	s2 =	sadd.s32 s3, s2  }
0x8d: {  	s2 =	sadd.s32 s2, s17  }
0x8e: {  	[smem:$0x3FBA] =	sst s2  }
0x8f: {  	_ = 	snop  }
0x90: {  	s2 =	sld [smem:$0x3FD0];
	(tm) =	ssettm $0x1  }
0x91: {  	s18 =	sld [smem:$0x3FFB];
	_ =	sdelay $0x3  }
0x92: {  	_ =	strace s18  }
0x93: {  	s3 =	sld [smem:$0x3FFC];
	_ =	sdelay $0x3  }
0x94: {  	_ =	strace s3  }
0x95: {  	s3 =	sld [smem:$0x3FFD];
	_ =	sdelay $0x3  }
0x96: {  	_ =	strace s3  }
0x97: {  	_ =	strace $0x8FFFFFFF  }
0x98: {  	s19 =	sld [smem:$0x3FDB];
	_ =	sdelay $0x1  }
0x99: {  	s4 =	simm.s32 $_scs_section_size  }
0x9a: {  	s5 =	simm.s32 $_size__tile_overlayer_lowered;
	s6 =	simm.s32 $_tile_overlayer_lowered  }
0x9b: {  	s22 =	simm.s32 $0x1BFF;
	s21 =	sshll.u32 s6, $0x1;
	s3 =	sadd.s32 s4, s19  }
0x9c: {  	s7 =	simm.s32 $0x0;
	s20 =	sshll.u32 s5, $0x1;
	s5 =	sadd.s32 s21, s3  }
0x9d: {  	[timem:s7], [sflag:s22] =	dma.local [hbm:s5], s20  }
0x9e: {  	_ =	swait.ge [sflag:s22], s20  }
0x9f: {  	s4 =	ssub.s32 $0x0, s20;
	[sflag:s22] =	ssyncset.done $0x0  }
0xa0: {  	[sflag:s22] =	ssyncadd.s32 s4;
	_ =	sdelay $0x1  }
0xa1: {  	s23 =	simm.s32 $0x1B8B  }
0xa2: {  	_ =	swait.ge [sflag:s23], $0x1  }
0xa3: {  	[sflag:s23] =	ssyncset.done $0x0  }
0xa4: {  	s25 =	simm.s32 $0x1B8E;
	s24 =	sld [smem:$0x3FFE];
	[sflag:s23] =	ssyncadd.s32 $0xFFFFFFFF  }
0xa5: {  	s26 =	simm.s32 $execute0_lowered;
	[smem:$0x3FD2] =	sst s25  }
0xa6: {  	s5 =	sshll.u32 s26, $0x1;
	_ =	strace $0x80000049;
	[dreg:$0x1] =	wrdreg $0xFFFFFFFF  }
0xa7: {  	s28 =	simm.s32 $_size_execute0_lowered;
	s3 =	sadd.s32 s3, s5;
	[dreg:$0x0] =	wrdreg $0x0  }
0xa8: {  	s5 =	sshll.u32 s28, $0x1;
	[dreg:$0x2] =	wrdreg s3  }
0xa9: {  	[dreg:$0x3] =	wrdreg s5  }
0xaa: {  	[dreg:$0x4] =	wrdreg $0xC0  }
0xab: {  	_ =	task [dreg:s7], $0x5FFFF  }
0xac: {  	[dreg:$0x1] =	wrdreg $0xFFFFFFFF  }
0xad: {  	[dreg:$0x0] =	wrdreg $0x60  }
0xae: {  	[dreg:$0x2] =	wrdreg s2  }
0xaf: {  	[dreg:$0x3] =	wrdreg s24  }
0xb0: {  	[dreg:$0x4] =	wrdreg $0xA8000  }
0xb1: {  	[dreg:$0x5] =	wrdreg $0x9  }
0xb2: {  	_ =	task.clear_ibuf [dreg:s7], $0x6FFFF;
	_ =	strace $0x90000049  }
0xb3: {  	s29 =	simm.s32 $0x9;
	_ =	strace $0x8000004B  }
0xb4: {  	_ =	swait.ge [sflag:s29], $0x1  }
0xb5: {  	[sflag:s29] =	ssyncadd.s32 $0xFFFFFFFF  }
0xb6: {  	_ =	strace $0x9000004B  }
0xb7: {  	_ =	sfence  }
0xb8: {  	s30 =	sld [smem:$0x0];
	_ =	sdelay $0x2  }
0xb9: {  	s31 =	sshll.u32 s1, $0xD;
	s1 =	sshrl.u32 s1, $0x2  }
0xba: {  	s3 =	sand.u32 $0x4000, s31;
	s1 =	sadd.s32 s1, s30  }
0xbb: {  	s0 =	sor.u32 s3, s0;
	s1 =	sshll.u32 s1, $0x11  }
0xbc: {  	s0 =	sor.u32 s1, s0  }
0xbd: {  	s0 =	sadd.s32 $0x8F2B, s0  }
0xbe: {  	[sflag:s0] =	ssyncadd.remote.s32 $0x1  }
0xbf: {  	_ =	sfence.sel $0xFFFF  }
0xc0: {  	[dreg:$0x0] =	wrdreg $0xFFFFFFFF;
	(pc) =	sbr.abs _section_cstart, $3  }
0xc1: {  	[dreg:$0x1] =	wrdreg $0xFFFFFFFF  }
0xc2: {  	_ =	task.clear_ibuf [dreg:s7], $0x2FFFF;
	_ =	strace $0x9FFFFFFF  }
0xc3: {  	(tm) =	ssettm $0x7FFFFFFF  }
tec
execute0_lowered:
.L_overlay_start_1:
0x0: {  	(tag) =	ssettag $0x1  }
0x1: {  	s1 =	rddreg [dreg:$0x0]  }
0x2: {  	s0 =	rddreg [dreg:$0x1];
	s2 =	srdreg.scid  }
0x3: {  	s16 =	stileid.u32;
	s3 =	rddreg [dreg:$0x2];
	s4 =	simm.s32 $0x0  }
0x4: {  	s19 =	simm.s32 $0x7D;
	s20 =	simm.s32 $0x2800;
	s21 =	simm.s32 $0x100  }
0x5: {  	s22 =	simm.s32 $0x6800;
	s23 =	simm.s32 $0x1;
	s24 =	simm.s32 $0x2  }
0x6: {  	s25 =	simm.s32 $0x3;
	s28 =	simm.s32 $0x2680;
	s29 =	simm.s32 $0x2780  }
0x7: {  	s30 =	simm.s32 $0x0;
	s2 =	sand.u32 $0x1, s2;
	s5 =	sshll.u32 s16, $0x1  }
0x8: {  	[smem:$0x7FF] =	sst s4;
	p0 =	slt.u32 s16, $0xE;
	s12 =	sadd.s32 $0x138000, s3  }
0x9: {  	s14 =	sadd.s32 $0x27000, s1;
	s26 =	sshll.u32 s16, $0xE;
	s13 =	sshll.u32 s16, $0xB  }
0xa: {  	p1 =	sne.s32 s16, $0xF;
	s5 =	sor.u32 s2, s5;
	_ =	strace $0x8000004A  }
0xb: {  	s6 =	ssub.s32 $0x2, s2;
	s10 =	smul.u32 $0x138800, s2;
	p2 =	seq.s32 s2, $0x1  }
0xc: {  	[dreg:$0x4] =	wrdreg s12;
	s13 =	sadd.s32 s13, s1;
	s7 =	sshrl.u32 s6, $0x1  }
0xd: {  	s5 =	smul.u32 $0xA00, s5;
	p2 =	por !p2, p1;
	s9 =	ssub.s32 s6, s7  }
0xe: {  	s6 =	simm.s32 $0x5;
	s7 =	simm.s32 $0x5;
	s11 =	sshrl.u32 s10, $0x3  }
0xf: {  	s10 =	sadd.s32 s26, s10;
	s8 =	sadd.s32 s5, s0;
	s5 =	sadd.s32 $0x15E00, s0  }
0x10: {  	s0 =	sadd.s32 $0x16600, s0;
	s7 =	simm.s32 @!p0 $0x4;
	s9 =	smax.u32 s9, $0x1  }
0x11: {  	s10 =	sshrl.u32 s10, $0x3;
	p0 =	sne.s32 s2, $0x0;
	s11 =	sadd.s32 s0, s11  }
0x12: {  	[dreg:$0x6] =	wrdreg s9;
	s31 =	sadd.s32 $0x1E00, s8;
	s12 =	sadd.s32 $0x2300, s8  }
0x13: {  	s8 =	sadd.s32 s26, s3;
	s15 =	sadd.s32 s10, s0;
	s0 =	sshll.u32 @p0 s16, $0x6  }
0x14: {  	s2 =	sshll.u32 @!p0 s16, $0x6;
	s18 =	smov.u32 s5;
	s26 =	simm.s32 $0x4  }
0x15: {  	s11 =	sadd.s32 $0x27000, s11;
	[dreg:$0x7] =	wrdreg s31;
	s16 =	sor.u32 @p0 $0x1C05, s0  }
0x16: {  	s17 =	sor.u32 @!p0 $0x1C06, s2;
	s18 =	smov.u32 @p2 s14;
	[dreg:$0x5] =	wrdreg s11  }
.LBB2_1:
0x17: {  	s31 =	sadd.s32 $0xFFFFFFFF, s7  }
0x18: {  	p3 =	sne.s32 s31, $0x0  }
.Ltmp0:
0x19: {  	_ = 	snop;
	(pc) =	sbr.rel @!p3 .LBB2_4-.Ltmp0, $2  }
0x1a: {  	_ =	sdelay $0x2  }
0x1b: {  	p2 =	por $0x0, $0x0;
	s14 =	smov.u32 s8;
	s2 =	smov.u32 s13  }
0x1c: {  	s0 =	sshrl.u32 @p0 s8, $0x3;
	s9 =	simm.s32 @p0 $0x5;
	s10 =	sadd.s32 $0xFFFFFFFF, s31  }
0x1d: {  	[spmem:s0], [sflag:s16] =	dma.local @p0 [hbm:s5], $0x800  }
0x1e: {  	p3 =	sne.s32 s10, $0x0;
	_ =	swait.ge @p0 [sflag:s9], $0x800  }
.Ltmp1:
0x1f: {  	[sflag:s9] =	ssyncset.done @p0 $0x0;
	(pc) =	sbr.rel @!p3 .LBB2_4-.Ltmp1, $4  }
0x20: {  	s2 =	sshrl.u32 @!p0 s8, $0x3;
	s0 =	simm.s32 @!p0 $0x6;
	[sflag:s9] =	ssyncadd.s32 @p0 $0xFFFFF800  }
0x21: {  	[spmem:s2], [sflag:s17] =	dma.local @!p0 [hbm:s13], $0x800  }
0x22: {  	s14 =	sadd.s32 $0x40000, s8;
	_ =	swait.ge @!p0 [sflag:s0], $0x800  }
0x23: {  	p2 =	por $0x1, $0x1;
	s2 =	sadd.s32 $0x8000, s13;
	[sflag:s0] =	ssyncset.done @!p0 $0x0  }
.LBB2_3:
0x24: {  	s11 =	sshrl.u32 @p0 s14, $0x3;
	[sflag:s0] =	ssyncadd.s32 @!p0 $0xFFFFF800;
	s10 =	sadd.s32 $0xFFFFFFFF, s10  }
0x25: {  	[spmem:s11], [sflag:s16] =	dma.local @p0 [hbm:s5], $0x800  }
0x26: {  	p3 =	sne.s32 s10, $0x0;
	_ =	swait.ge @p0 [sflag:s9], $0x800  }
.Ltmp2:
0x27: {  	[sflag:s9] =	ssyncset.done @p0 $0x0;
	(pc) =	sbr.rel @p3 .LBB2_3-.Ltmp2, $4  }
0x28: {  	s11 =	sshrl.u32 @!p0 s14, $0x3;
	[sflag:s9] =	ssyncadd.s32 @p0 $0xFFFFF800  }
0x29: {  	[spmem:s11], [sflag:s17] =	dma.local @!p0 [hbm:s2], $0x800  }
0x2a: {  	_ =	swait.ge @!p0 [sflag:s0], $0x800  }
0x2b: {  	s14 =	sadd.s32 $0x40000, s14;
	s2 =	sadd.s32 $0x8000, s2;
	[sflag:s0] =	ssyncset.done @!p0 $0x0  }
.LBB2_4:
0x2c: {  	p2 =	por p0, !p2  }
0x2d: {  	s9 =	sshrl.u32 @p0 s14, $0x3;
	s10 =	simm.s32 @p0 $0x5;
	[sflag:s0] =	ssyncadd.s32 @!p2 $0xFFFFF800  }
0x2e: {  	[spmem:s9], [sflag:s16] =	dma.local @p0 [hbm:s5], $0x800  }
0x2f: {  	_ =	swait.ge @p0 [sflag:s10], $0x800  }
0x30: {  	[sflag:s10] =	ssyncset.done @p0 $0x0  }
0x31: {  	s0 =	sshrl.u32 @!p0 s14, $0x3;
	s9 =	simm.s32 @!p0 $0x6;
	[sflag:s10] =	ssyncadd.s32 @p0 $0xFFFFF800  }
0x32: {  	[spmem:s0], [sflag:s17] =	dma.local @!p0 [hbm:s2], $0x800  }
0x33: {  	_ =	swait.ge @!p0 [sflag:s9], $0x800  }
0x34: {  	[sflag:s9] =	ssyncset.done @!p0 $0x0;
	s0 =	rddreg [dreg:$0x4]  }
0x35: {  	[sflag:s9] =	ssyncadd.s32 @!p0 $0xFFFFF800;
	s2 =	sshrl.u32 @!p1 s0, $0x3;
	s0 =	simm.s32 @!p1 $0x1FC5  }
0x36: {  	[spmem:s2], [sflag:s0] =	dma.local @!p1 [hbm:s18], $0x100  }
0x37: {  	s0 =	simm.s32 @!p1 $0x5  }
0x38: {  	_ =	swait.ge @!p1 [sflag:s0], $0x100  }
0x39: {  	[sflag:s0] =	ssyncset.done @!p1 $0x0  }
0x3a: {  	[sflag:s0] =	ssyncadd.s32 @!p1 $0xFFFFFF00  }
0x3b: {  	[bflag:$0x0] =	sbarrier.arrive $0xFFFF  }
0x3c: {  	s9 =	rddreg [dreg:$0x7]  }
0x3d: {  	[tilespmem:s4], [sflag:$0x5] =	stream.linear.gather [hbm4b:s9+s4], $0x2800, $0x38;
	[tilespmem:$0x1E080] =	vst v63  }
0x3e: {  	_ =	swait.ge [sflag:s6], $0x2800  }
0x3f: {  	[sflag:s6] =	ssyncset.done $0x0  }
0x40: {  	[sflag:s6] =	ssyncadd.s32 $0xFFFFD800  }
0x41: {  	[tilespmem:s20], [sflag:$0x1] =	stream.indirect.gather [hbm4b:s1+s19], $0x80, s4, s19, $0xb8;
	[tilespmem:$0x1E080] =	vst v63  }
0x42: {  	_ = 	snop  }
0x43: {  	[tilespmem:s22], [sflag:$0x2] =	stream.indirect.gather [hbm4b:s1+s19], $0x80, s21, s19, $0xb8;
	[tilespmem:$0x1E080] =	vst v63  }
0x44: {  	_ =	swait.ge [sflag:s23], $0x3E80  }
0x45: {  	[sflag:s23] =	ssyncset.done $0x0  }
0x46: {  	s10 =	simm.s32 $0x80;
	[sflag:s23] =	ssyncadd.s32 $0xFFFFC180  }
0x47: {  	[spmem:s3] =	stream.indirect.scatter.add.f32 [tilespmem:s20], [sflag:$0x3], $0x80, s10, s19, $0xb8;
	[tilespmem:$0x1E080] =	vst v63  }
0x48: {  	_ =	swait.ge [sflag:s24], $0x3E80  }
0x49: {  	[sflag:s24] =	ssyncset.done $0x0  }
0x4a: {  	s11 =	simm.s32 $0x180;
	[sflag:s24] =	ssyncadd.s32 $0xFFFFC180  }
0x4b: {  	[spmem:s3] =	stream.indirect.scatter.add.f32 [tilespmem:s22], [sflag:$0x4], $0x80, s11, s19, $0xb8;
	[tilespmem:$0x1E080] =	vst v63  }
0x4c: {  	_ =	swait.ge [sflag:s25], $0x3E80  }
0x4d: {  	[sflag:s25] =	ssyncset.done $0x0  }
0x4e: {  	s14 =	simm.s32 $0x200;
	[sflag:s25] =	ssyncadd.s32 $0xFFFFC180  }
0x4f: {  	[tilespmem:s20], [sflag:$0x1] =	stream.indirect.gather [hbm4b:s1+s19], $0x80, s14, s19, $0xb8;
	[tilespmem:$0x1E080] =	vst v63  }
0x50: {  	_ =	swait.ge [sflag:s26], $0x3E80  }
0x51: {  	[sflag:s26] =	ssyncset.done $0x0  }
0x52: {  	s0 =	simm.s32 $0xFFFF7000;
	s9 =	simm.s32 $0x300;
	[sflag:s26] =	ssyncadd.s32 $0xFFFFC180  }
.LBB2_5:
0x53: {  	[tilespmem:s22], [sflag:$0x2] =	stream.indirect.gather [hbm4b:s1+s19], $0x80, s9, s19, $0xb8;
	[tilespmem:$0x1E080] =	vst v63  }
0x54: {  	s9 =	smov.u32 s0  }
0x55: {  	p2 =	sne.s32 s0, $0xFFFFF800;
	s0 =	sadd.s32 $0x800, s0;
	_ =	swait.ge [sflag:s23], $0x3E80  }
0x56: {  	s9 =	sshra.s32 s9, $0x2;
	[sflag:s23] =	ssyncset.done $0x0  }
0x57: {  	s10 =	sadd.s32 $0x2680, s9;
	[sflag:s23] =	ssyncadd.s32 $0xFFFFC180  }
0x58: {  	[spmem:s3] =	stream.indirect.scatter.add.f32 [tilespmem:s20], [sflag:$0x3], $0x80, s10, s19, $0xb8;
	[tilespmem:$0x1E080] =	vst v63  }
0x59: {  	_ =	swait.ge [sflag:s24], $0x3E80  }
0x5a: {  	[sflag:s24] =	ssyncset.done $0x0  }
0x5b: {  	s10 =	sadd.s32 $0x2780, s9;
	[sflag:s24] =	ssyncadd.s32 $0xFFFFC180  }
0x5c: {  	[spmem:s3] =	stream.indirect.scatter.add.f32 [tilespmem:s22], [sflag:$0x4], $0x80, s10, s19, $0xb8;
	[tilespmem:$0x1E080] =	vst v63  }
0x5d: {  	_ =	swait.ge [sflag:s25], $0x3E80  }
0x5e: {  	[sflag:s25] =	ssyncset.done $0x0  }
.Ltmp3:
0x5f: {  	s10 =	sadd.s32 $0x2800, s9;
	[sflag:s25] =	ssyncadd.s32 $0xFFFFC180;
	(pc) =	sbr.rel @p2 .LBB2_5-.Ltmp3, $4  }
0x60: {  	[tilespmem:s20], [sflag:$0x1] =	stream.indirect.gather [hbm4b:s1+s19], $0x80, s10, s19, $0xb8;
	[tilespmem:$0x1E080] =	vst v63  }
0x61: {  	_ =	swait.ge [sflag:s26], $0x3E80  }
0x62: {  	[sflag:s26] =	ssyncset.done $0x0  }
0x63: {  	s9 =	sadd.s32 $0x2900, s9;
	[sflag:s26] =	ssyncadd.s32 $0xFFFFC180  }
0x64: {  	[tilespmem:s22], [sflag:$0x2] =	stream.indirect.gather [hbm4b:s1+s19], $0x80, s9, s19, $0xb8;
	[tilespmem:$0x1E080] =	vst v63  }
0x65: {  	_ =	swait.ge [sflag:s23], $0x3E80  }
0x66: {  	[sflag:s23] =	ssyncset.done $0x0  }
0x67: {  	[sflag:s23] =	ssyncadd.s32 $0xFFFFC180  }
0x68: {  	[spmem:s3] =	stream.indirect.scatter.add.f32 [tilespmem:s20], [sflag:$0x3], $0x80, s28, s19, $0xb8;
	[tilespmem:$0x1E080] =	vst v63  }
0x69: {  	_ =	swait.ge [sflag:s24], $0x3E80  }
0x6a: {  	[sflag:s24] =	ssyncset.done $0x0  }
0x6b: {  	[sflag:s24] =	ssyncadd.s32 $0xFFFFC180  }
0x6c: {  	[spmem:s3] =	stream.indirect.scatter.add.f32 [tilespmem:s22], [sflag:$0x4], $0x80, s29, s19, $0xb8;
	[tilespmem:$0x1E080] =	vst v63  }
0x6d: {  	_ =	swait.ge [sflag:s25], $0x3E80  }
0x6e: {  	[sflag:s25] =	ssyncset.done $0x0  }
0x6f: {  	[sflag:s25] =	ssyncadd.s32 $0xFFFFC180  }
0x70: {  	_ =	swait.ge [sflag:s26], $0x3E80  }
0x71: {  	[sflag:s26] =	ssyncset.done $0x0  }
0x72: {  	[sflag:s26] =	ssyncadd.s32 $0xFFFFC180  }
0x73: {  	[tilespmem:s4], [sflag:$0x5] =	stream.linear.gather [hbm4b:s12+s4], $0x2800, $0x38;
	[tilespmem:$0x1E080] =	vst v63  }
0x74: {  	_ =	swait.ge [sflag:s6], $0x2800  }
0x75: {  	[sflag:s6] =	ssyncset.done $0x0  }
0x76: {  	[sflag:s6] =	ssyncadd.s32 $0xFFFFD800  }
0x77: {  	[tilespmem:s20], [sflag:$0x1] =	stream.indirect.gather [hbm4b:s1+s19], $0x80, s4, s19, $0xb8;
	[tilespmem:$0x1E080] =	vst v63  }
0x78: {  	_ = 	snop  }
0x79: {  	[tilespmem:s22], [sflag:$0x2] =	stream.indirect.gather [hbm4b:s1+s19], $0x80, s21, s19, $0xb8;
	[tilespmem:$0x1E080] =	vst v63  }
0x7a: {  	_ =	swait.ge [sflag:s23], $0x3E80  }
0x7b: {  	[sflag:s23] =	ssyncset.done $0x0  }
0x7c: {  	s0 =	simm.s32 $0x80;
	[sflag:s23] =	ssyncadd.s32 $0xFFFFC180  }
0x7d: {  	[spmem:s3] =	stream.indirect.scatter.add.f32 [tilespmem:s20], [sflag:$0x3], $0x80, s0, s19, $0xb8;
	[tilespmem:$0x1E080] =	vst v63  }
0x7e: {  	_ =	swait.ge [sflag:s24], $0x3E80  }
0x7f: {  	[sflag:s24] =	ssyncset.done $0x0  }
0x80: {  	s11 =	simm.s32 $0x180;
	[sflag:s24] =	ssyncadd.s32 $0xFFFFC180  }
0x81: {  	[spmem:s3] =	stream.indirect.scatter.add.f32 [tilespmem:s22], [sflag:$0x4], $0x80, s11, s19, $0xb8;
	[tilespmem:$0x1E080] =	vst v63  }
0x82: {  	_ =	swait.ge [sflag:s25], $0x3E80  }
0x83: {  	[sflag:s25] =	ssyncset.done $0x0  }
0x84: {  	s14 =	simm.s32 $0x200;
	[sflag:s25] =	ssyncadd.s32 $0xFFFFC180  }
0x85: {  	[tilespmem:s20], [sflag:$0x1] =	stream.indirect.gather [hbm4b:s1+s19], $0x80, s14, s19, $0xb8;
	[tilespmem:$0x1E080] =	vst v63  }
0x86: {  	_ =	swait.ge [sflag:s26], $0x3E80  }
0x87: {  	[sflag:s26] =	ssyncset.done $0x0  }
0x88: {  	s9 =	simm.s32 $0x300;
	s0 =	simm.s32 $0xFFFF7000;
	[sflag:s26] =	ssyncadd.s32 $0xFFFFC180  }
.LBB2_7:
0x89: {  	[tilespmem:s22], [sflag:$0x2] =	stream.indirect.gather [hbm4b:s1+s19], $0x80, s9, s19, $0xb8;
	[tilespmem:$0x1E080] =	vst v63  }
0x8a: {  	s9 =	smov.u32 s0  }
0x8b: {  	p2 =	sne.s32 s0, $0xFFFFF800;
	s0 =	sadd.s32 $0x800, s0;
	_ =	swait.ge [sflag:s23], $0x3E80  }
0x8c: {  	s9 =	sshra.s32 s9, $0x2;
	[sflag:s23] =	ssyncset.done $0x0  }
0x8d: {  	s10 =	sadd.s32 $0x2680, s9;
	[sflag:s23] =	ssyncadd.s32 $0xFFFFC180  }
0x8e: {  	[spmem:s3] =	stream.indirect.scatter.add.f32 [tilespmem:s20], [sflag:$0x3], $0x80, s10, s19, $0xb8;
	[tilespmem:$0x1E080] =	vst v63  }
0x8f: {  	_ =	swait.ge [sflag:s24], $0x3E80  }
0x90: {  	[sflag:s24] =	ssyncset.done $0x0  }
0x91: {  	s10 =	sadd.s32 $0x2780, s9;
	[sflag:s24] =	ssyncadd.s32 $0xFFFFC180  }
0x92: {  	[spmem:s3] =	stream.indirect.scatter.add.f32 [tilespmem:s22], [sflag:$0x4], $0x80, s10, s19, $0xb8;
	[tilespmem:$0x1E080] =	vst v63  }
0x93: {  	_ =	swait.ge [sflag:s25], $0x3E80  }
0x94: {  	[sflag:s25] =	ssyncset.done $0x0  }
.Ltmp4:
0x95: {  	s10 =	sadd.s32 $0x2800, s9;
	[sflag:s25] =	ssyncadd.s32 $0xFFFFC180;
	(pc) =	sbr.rel @p2 .LBB2_7-.Ltmp4, $4  }
0x96: {  	[tilespmem:s20], [sflag:$0x1] =	stream.indirect.gather [hbm4b:s1+s19], $0x80, s10, s19, $0xb8;
	[tilespmem:$0x1E080] =	vst v63  }
0x97: {  	_ =	swait.ge [sflag:s26], $0x3E80  }
0x98: {  	[sflag:s26] =	ssyncset.done $0x0  }
0x99: {  	s9 =	sadd.s32 $0x2900, s9;
	[sflag:s26] =	ssyncadd.s32 $0xFFFFC180  }
0x9a: {  	[tilespmem:s22], [sflag:$0x2] =	stream.indirect.gather [hbm4b:s1+s19], $0x80, s9, s19, $0xb8;
	[tilespmem:$0x1E080] =	vst v63  }
0x9b: {  	_ =	swait.ge [sflag:s23], $0x3E80  }
0x9c: {  	[sflag:s23] =	ssyncset.done $0x0  }
0x9d: {  	[sflag:s23] =	ssyncadd.s32 $0xFFFFC180  }
0x9e: {  	[spmem:s3] =	stream.indirect.scatter.add.f32 [tilespmem:s20], [sflag:$0x3], $0x80, s28, s19, $0xb8;
	[tilespmem:$0x1E080] =	vst v63  }
0x9f: {  	_ =	swait.ge [sflag:s24], $0x3E80  }
0xa0: {  	[sflag:s24] =	ssyncset.done $0x0  }
0xa1: {  	[sflag:s24] =	ssyncadd.s32 $0xFFFFC180  }
0xa2: {  	[spmem:s3] =	stream.indirect.scatter.add.f32 [tilespmem:s22], [sflag:$0x4], $0x80, s29, s19, $0xb8;
	[tilespmem:$0x1E080] =	vst v63  }
0xa3: {  	_ =	swait.ge [sflag:s25], $0x3E80  }
0xa4: {  	[sflag:s25] =	ssyncset.done $0x0  }
0xa5: {  	[sflag:s25] =	ssyncadd.s32 $0xFFFFC180  }
0xa6: {  	p2 =	sne.s32 s7, $0x1;
	_ =	swait.ge [sflag:s26], $0x3E80  }
.Ltmp5:
0xa7: {  	s0 =	stileid.u32;
	[sflag:s26] =	ssyncset.done $0x0;
	(pc) =	sbr.rel @!p2 .LBB2_10-.Ltmp5, $4  }
0xa8: {  	s0 =	sshll.u32 s0, $0x6;
	[sflag:s26] =	ssyncadd.s32 $0xFFFFC180  }
0xa9: {  	s14 =	sshrl.u32 s8, $0x3;
	s0 =	sor.u32 $0x1C05, s0;
	[bflag:$0x0] =	sbarrier.arrive $0xFFFF  }
0xaa: {  	[hbm:s15], [sflag:s0] =	dma.local [spmem:s14], $0x800  }
0xab: {  	s9 =	sadd.s32 $0x8000, s15;
	s10 =	smov.u32 s8;
	_ =	swait.ge [sflag:s6], $0x800  }
.LBB2_9:
0xac: {  	[sflag:s6] =	ssyncset.done $0x0;
	s10 =	sadd.s32 $0x40000, s10;
	p2 =	sne.s32 s31, $0x1  }
.Ltmp6:
0xad: {  	s11 =	sshrl.u32 s10, $0x3;
	[sflag:s6] =	ssyncadd.s32 $0xFFFFF800;
	(pc) =	sbr.rel @p2 .LBB2_9-.Ltmp6, $3  }
0xae: {  	[hbm:s9], [sflag:s0] =	dma.local [spmem:s11], $0x800  }
0xaf: {  	s31 =	sadd.s32 $0xFFFFFFFF, s31;
	_ =	sdelay $0x1  }
0xb0: {  	s9 =	sadd.s32 $0x8000, s9;
	_ =	swait.ge [sflag:s6], $0x800  }
.LBB2_10:
0xb1: {  	[sflag:s6] =	ssyncset.done $0x0  }
0xb2: {  	s0 =	simm.s32 @!p1 $0x1FC5;
	s9 =	rddreg [dreg:$0x5];
	[sflag:s6] =	ssyncadd.s32 $0xFFFFF800  }
0xb3: {  	[hbm:s9], [sflag:s0] =	dma.local @!p1 [spmem:s2], $0x100  }
0xb4: {  	s0 =	simm.s32 @!p1 $0x5  }
0xb5: {  	_ =	swait.ge @!p1 [sflag:s0], $0x100  }
0xb6: {  	s30 =	sadd.s32 $0x1, s30;
	s31 =	rddreg [dreg:$0x6]  }
0xb7: {  	p2 =	sne.s32 s30, s31  }
.Ltmp7:
0xb8: {  	_ = 	snop;
	(pc) =	sbr.rel @p2 .LBB2_1-.Ltmp7, $3  }
0xb9: {  	_ =	sdelay $0x1  }
0xba: {  	[sflag:s0] =	ssyncset.done @!p1 $0x0  }
0xbb: {  	[sflag:s0] =	ssyncadd.s32 @!p1 $0xFFFFFF00  }
0xbc: {  	_ =	sfence.sel $0x180000  }
0xbd: {  	[bflag:$0x0] =	sbarrier.arrive $0xFFFF  }
0xbe: {  	_ =	strace $0x9000004A  }
0xbf: {  	s0 =	stileid.u32;
	[bflag:$0x2] =	sbarrier.arrive $0xFFFF  }
0xc0: {  	p0 =	sne.s32 s0, $0x0;
	s0 =	rddreg [dreg:$0x3]  }
0xc1: {  	s0 =	sadd.s32 @!p0 $0x100000, s0  }
0xc2: {  	[sflag:s0] =	ssyncadd.tile.s32 @!p0 $0x1;
	_ =	shalt  }
.Lfunc_end2:
_tile_overlayer_lowered:
.L_overlay_start_2:
0xc3: {  	(tag) =	ssettag $0x2  }
0xc4: {  	s0 =	rddreg [dreg:$0x0];
	s2 =	stileid.u32  }
0xc5: {  	s1 =	rddreg [dreg:$0x1];
	p0 =	sne.s32 s2, $0x0  }
0xc6: {  	s3 =	rddreg [dreg:$0x2];
	[bflag:$0x3] =	sbarrier.arrive $0xFFFF;
	s2 =	simm.s32 @!p0 $0x1C05  }
0xc7: {  	[timem:s3], [sflag:s2] =	dma.local @!p0 [hbm:s0], s1  }
0xc8: {  	s0 =	simm.s32 @!p0 $0x5  }
0xc9: {  	_ =	swait.ge @!p0 [sflag:s0], s1  }
0xca: {  	s1 =	ssub.s32 @!p0 $0x0, s1;
	[sflag:s0] =	ssyncset.done @!p0 $0x0  }
0xcb: {  	[sflag:s0] =	ssyncadd.s32 @!p0 s1  }
0xcc: {  	[bflag:$0x3] =	sbarrier.arrive $0xFFFF  }
0xcd: {  	_ =	shalt  }

</sc_bundles>
